<compile_context>
chip_gen: v7x
topology: tpu7x:2x2x1
jax: 0.10.2.dev20260603
libtpu: 0.0.44.dev20260713+nightly
codegen_flags: <defaults>
</compile_context>

<pallas_src>
import jax
import jax.numpy as jnp
from jax import lax
from jax.experimental import pallas as pl
from jax.experimental.pallas import tpu as pltpu
from jax.experimental.pallas import tpu_sc as plsc

NC = 2
NS = 16
NW = NC * NS
LANE = 16
BATCH = 128
BL = BATCH // LANE


def _ceil_to(a, m):
    return -(-a // m) * m


def _build_deg_kernel(n_pad, nb):
    rows_t = n_pad // NS
    mesh = plsc.VectorSubcoreMesh(core_axis_name="c", subcore_axis_name="s")

    def body(dst_hbm, out_hbm, dst_v, ones_v, stage_v, deg_sh):
        c = lax.axis_index("c")
        s = lax.axis_index("s")
        wid = c * NS + s

        def fill_ones(i, carry):
            ones_v[pl.ds(i * LANE, LANE)] = jnp.ones((LANE,), jnp.float32)
            return carry

        lax.fori_loop(0, BATCH // LANE, fill_ones, 0)

        def fill_zero(i, carry):
            stage_v[pl.ds(i * LANE, LANE)] = jnp.zeros((LANE,), jnp.float32)
            return carry

        lax.fori_loop(0, rows_t // LANE, fill_zero, 0)

        pltpu.sync_copy(stage_v, deg_sh.at[pl.ds(s * rows_t, rows_t)])
        pltpu.sync_copy(dst_hbm.at[pl.ds(wid * nb, nb)], dst_v)
        plsc.subcore_barrier()

        def scat(b, carry):
            pltpu.sync_copy(ones_v, deg_sh.at[dst_v.at[b]], add=True)
            return carry

        lax.fori_loop(0, nb, scat, 0)
        plsc.subcore_barrier()

        pltpu.sync_copy(deg_sh.at[pl.ds(s * rows_t, rows_t)], stage_v)
        pltpu.sync_copy(stage_v, out_hbm.at[pl.ds(wid * rows_t, rows_t)])

    return pl.kernel(
        body,
        out_type=jax.ShapeDtypeStruct((NC * n_pad,), jnp.float32),
        mesh=mesh,
        scratch_types=[
            pltpu.VMEM((nb, BATCH), jnp.int32),
            pltpu.VMEM((BATCH,), jnp.float32),
            pltpu.VMEM((rows_t,), jnp.float32),
            pltpu.VMEM_SHARED((n_pad,), jnp.float32),
        ],
    )


def _build_agg_kernel(n_pad, nb, d, shift):
    rows_t = n_pad // NS
    n_cp = rows_t // BATCH
    mask = (1 << shift) - 1
    mesh = plsc.VectorSubcoreMesh(core_axis_name="c", subcore_axis_name="s")

    def body(pk_hbm, xs_hbm, out_hbm,
             pk_v, si_v, di_v, buf0, buf1, agg_sh, sem0, sem1):
        c = lax.axis_index("c")
        s = lax.axis_index("s")
        wid = c * NS + s
        dl = d // LANE

        def z(i, carry):
            buf0[i // dl, pl.ds((i % dl) * LANE, LANE)] = (
                jnp.zeros((LANE,), jnp.float32))
            return carry

        lax.fori_loop(0, BATCH * dl, z, 0)

        def zc(i, carry):
            pltpu.sync_copy(buf0, agg_sh.at[pl.ds(s * rows_t + i * BATCH, BATCH)])
            return carry

        lax.fori_loop(0, n_cp, zc, 0)

        pltpu.sync_copy(pk_hbm.at[pl.ds(wid * nb, nb + 8)], pk_v)
        plsc.subcore_barrier()

        def upk_src(b, carry):
            r = b % 4

            def col(j, c2):
                v = pk_v[b, pl.ds(j * LANE, LANE)]
                si_v[r, pl.ds(j * LANE, LANE)] = (
                    lax.shift_right_logical(v, shift))
                return c2

            return lax.fori_loop(0, BL, col, carry)

        def upk_dst(b, carry):
            r = b % 4

            def col(j, c2):
                v = pk_v[b, pl.ds(j * LANE, LANE)]
                di_v[r, pl.ds(j * LANE, LANE)] = lax.bitwise_and(v, mask)
                return c2

            return lax.fori_loop(0, BL, col, carry)

        upk_src(0, 0)
        upk_src(1, 0)
        pltpu.async_copy(xs_hbm.at[si_v.at[0]], buf0, sem0)
        pltpu.async_copy(xs_hbm.at[si_v.at[1]], buf1, sem1)

        def step(g, carry):
            b0 = 2 * g
            b1 = b0 + 1
            pltpu.make_async_copy(xs_hbm.at[si_v.at[b0 % 4]], buf0,
                                  sem0).wait()
            upk_src(b0 + 2, 0)
            upk_dst(b0, 0)
            pltpu.sync_copy(buf0, agg_sh.at[di_v.at[b0 % 4]], add=True)
            pltpu.async_copy(xs_hbm.at[si_v.at[(b0 + 2) % 4]], buf0, sem0)
            pltpu.make_async_copy(xs_hbm.at[si_v.at[b1 % 4]], buf1,
                                  sem1).wait()
            upk_src(b1 + 2, 0)
            upk_dst(b1, 0)
            pltpu.sync_copy(buf1, agg_sh.at[di_v.at[b1 % 4]], add=True)
            pltpu.async_copy(xs_hbm.at[si_v.at[(b1 + 2) % 4]], buf1, sem1)
            return carry

        lax.fori_loop(0, nb // 2, step, 0)
        pltpu.make_async_copy(xs_hbm.at[si_v.at[0]], buf0, sem0).wait()
        pltpu.make_async_copy(xs_hbm.at[si_v.at[1]], buf1, sem1).wait()
        plsc.subcore_barrier()

        def cp(i, carry):
            pltpu.sync_copy(agg_sh.at[pl.ds(s * rows_t + i * BATCH, BATCH)], buf0)
            pltpu.sync_copy(buf0, out_hbm.at[pl.ds(wid * rows_t + i * BATCH, BATCH)])
            return carry

        lax.fori_loop(0, n_cp, cp, 0)

    return pl.kernel(
        body,
        out_type=jax.ShapeDtypeStruct((NC * n_pad, d), jnp.float32),
        mesh=mesh,
        scratch_types=[
            pltpu.VMEM((nb + 8, BATCH), jnp.int32),
            pltpu.VMEM((4, BATCH), jnp.int32),
            pltpu.VMEM((4, BATCH), jnp.int32),
            pltpu.VMEM((BATCH, d), jnp.float32),
            pltpu.VMEM((BATCH, d), jnp.float32),
            pltpu.VMEM_SHARED((n_pad, d), jnp.float32),
            pltpu.SemaphoreType.DMA,
            pltpu.SemaphoreType.DMA,
        ],
    )


def _norm_body(degp_ref, x_ref, dinv_ref, xs_ref):
    deg_row = degp_ref[0:1, :] + degp_ref[1:2, :] + 1.0
    dinv_row = lax.rsqrt(deg_row)
    dinv_ref[...] = dinv_row
    xs_ref[...] = x_ref[...] * jnp.transpose(dinv_row, (1, 0))


def _out_body(p_ref, xs_ref, dinv_ref, w_ref, b_ref, o_ref):
    m = p_ref[0] + p_ref[1] + xs_ref[...]
    y = jnp.dot(m, w_ref[...], preferred_element_type=jnp.float32)
    dinv_col = jnp.transpose(dinv_ref[...], (1, 0))
    o_ref[...] = jnp.maximum(y * dinv_col + b_ref[...], 0.0)


def kernel(x, edge_index, W1, b1):
    n, d_in = x.shape
    d_hid = W1.shape[1]
    e = edge_index.shape[1]

    n_pad = _ceil_to(n + 1, NS * BATCH)
    pad_rows = n_pad - n
    shift = max(int(n_pad - 1).bit_length(), 1)
    nb = _ceil_to(-(-e // (NW * BATCH)), 8)
    e_pad = NW * nb * BATCH

    src = edge_index[0]
    dst = edge_index[1]
    pad_idx = n + (jnp.arange(e_pad - e + 8 * BATCH, dtype=jnp.int32)
                   % pad_rows)
    if e % NW == 0:
        ept = e // NW
        ppt = nb * BATCH - ept
        padv = pad_idx[:NW * ppt].reshape(NW, ppt)
        src_m = jnp.concatenate([src.reshape(NW, ept), padv], axis=1)
        dst_m = jnp.concatenate([dst.reshape(NW, ept), padv], axis=1)
    else:
        src_m = jnp.concatenate([src, pad_idx[:e_pad - e]]).reshape(NW, -1)
        dst_m = jnp.concatenate([dst, pad_idx[:e_pad - e]]).reshape(NW, -1)
    tail = pad_idx[-8 * BATCH:].reshape(8, BATCH)
    dst_full = jnp.concatenate(
        [dst_m.reshape(NW * nb, BATCH), tail], axis=0)
    dst_full = lax.optimization_barrier(dst_full)
    src_full = jnp.concatenate(
        [src_m.reshape(NW * nb, BATCH), tail], axis=0)
    pk_full = jnp.left_shift(src_full, shift) | dst_full

    degp = _build_deg_kernel(n_pad, nb)(dst_full)
    degp2 = degp.reshape(NC, n_pad)

    br = 2560
    grid = (_ceil_to(n, br) // br,)
    dinv, xs = pl.pallas_call(
        _norm_body,
        grid=grid,
        in_specs=[
            pl.BlockSpec((NC, br), lambda i: (0, i)),
            pl.BlockSpec((br, d_in), lambda i: (i, 0)),
        ],
        out_specs=[
            pl.BlockSpec((1, br), lambda i: (0, i)),
            pl.BlockSpec((br, d_in), lambda i: (i, 0)),
        ],
        out_shape=[
            jax.ShapeDtypeStruct((1, n_pad), jnp.float32),
            jax.ShapeDtypeStruct((n_pad, d_in), jnp.float32),
        ],
    )(degp2, x)

    aggp = _build_agg_kernel(n_pad, nb, d_in, shift)(pk_full, xs)
    aggp = aggp.reshape(NC, n_pad, d_in)

    out = pl.pallas_call(
        _out_body,
        grid=grid,
        in_specs=[
            pl.BlockSpec((NC, br, d_in), lambda i: (0, i, 0)),
            pl.BlockSpec((br, d_in), lambda i: (i, 0)),
            pl.BlockSpec((1, br), lambda i: (0, i)),
            pl.BlockSpec((d_in, d_hid), lambda i: (0, 0)),
            pl.BlockSpec((1, d_hid), lambda i: (0, 0)),
        ],
        out_specs=pl.BlockSpec((br, d_hid), lambda i: (i, 0)),
        out_shape=jax.ShapeDtypeStruct((n, d_hid), jnp.float32),
    )(aggp, xs, dinv, W1, b1.reshape(1, d_hid))

    return out

# --- scband reference (transcript-rebuilt; emitter-appended) ---
"""Pipeline reference for scband-gcn-3332894622637 (READ-ONLY COPY).

The authoritative reference and input builder live on the scoring server;
editing this copy changes nothing except your own understanding.
"""

import jax, jax.numpy as jnp
import numpy as np

N = 10000
E = 320000
D_IN = 128
D_HID = 256

def setup_inputs(seed: int = 0) -> dict:
    key = jax.random.key(seed)
    k1, k2, k3 = jax.random.split(key, 3)
    x = jax.random.normal(k1, (N, D_IN), dtype=jnp.float32)
    edge_index = jax.random.randint(k2, (2, E), 0, N, dtype=jnp.int32)
    # GCNConv layer 1 parameters (glorot-ish init)
    W1 = jax.random.normal(k3, (D_IN, D_HID), dtype=jnp.float32) * (1.0 / np.sqrt(D_IN))
    b1 = jnp.zeros((D_HID,), dtype=jnp.float32)
    return {"x": x, "edge_index": edge_index, "W1": W1, "b1": b1}

def reference(x, edge_index, W1, b1):
    # Faithful GCN forward (eval mode, so dropout p=0.5 is identity):
    #   x = dropout(x)                      -> identity in eval
    #   x = GCNConv(x, edge_index).relu()   -> sym-normalized aggregation
    # conv2 is defined in __init__ but never used in forward.
    n = x.shape[0]
    src = edge_index[0]
    dst = edge_index[1]
    # add self-loops (PyG gcn_norm default add_self_loops=True)
    loop = jnp.arange(n, dtype=edge_index.dtype)
    src = jnp.concatenate([src, loop], axis=0)
    dst = jnp.concatenate([dst, loop], axis=0)
    ew = jnp.ones(src.shape[0], dtype=x.dtype)
    # symmetric normalization: D^{-1/2} (A+I) D^{-1/2}
    deg = jax.ops.segment_sum(ew, dst, num_segments=n)
    deg_inv_sqrt = jnp.where(deg > 0, jax.lax.rsqrt(jnp.maximum(deg, 1e-12)), 0.0)
    norm = deg_inv_sqrt[src] * ew * deg_inv_sqrt[dst]
    # linear transform then propagate (gather -> scale -> scatter-add)
    h = x @ W1
    msg = h[src] * norm[:, None]
    out = jax.ops.segment_sum(msg, dst, num_segments=n)
    out = out + b1
    return jax.nn.relu(out)

if __name__ == "__main__":
    import jax
    _d = setup_inputs()
    print(jax.jit(kernel)(*tuple(_d.values())))

</pallas_src>

<mosaic_0001>
#map = affine_map<(d0, d1) -> (0, 0)>
#map1 = affine_map<(d0, d1) -> (0)>
module attributes {stable_mosaic.version = 14 : i64} {
  func.func @body(%arg0: i32, %arg1: i32, %arg2: memref<2568x128xi32, #tpu.memory_space<hbm>>, %arg3: memref<20480xf32, #tpu.memory_space<hbm>>, %arg4: memref<80x128xi32, #tpu.memory_space<vmem>>, %arg5: memref<128xf32, #tpu.memory_space<vmem>>, %arg6: memref<640xf32, #tpu.memory_space<vmem>>, %arg7: memref<10240xf32, #tpu.memory_space<vmem_shared>>) attributes {dimension_semantics = [#tpu.dimension_semantics<core_parallel>, #tpu.dimension_semantics<subcore_parallel>], iteration_bounds = array<i64: 2, 16>, scalar_prefetch = 0 : i64, scratch_operands = 4 : i64, tpu.core_type = #tpu.core_type<sc_vector_subcore>, window_params = [{transform_indices = #map}, {transform_indices = #map1}]} {
    %mul3A = arith.constant 16 : i32
    %mul3A_0 = arith.muli %arg0, %mul3A : i32
    %add3A = arith.addi %mul3A_0, %arg1 : i32
    %scan3A = arith.constant 0 : i32
    %scan3A_1 = arith.constant 0 : i32
    %scan3A_2 = arith.constant 8 : i32
    %scan3A_3 = arith.addi %scan3A_1, %scan3A_2 : i32
    %scan3A_4 = arith.constant 1 : i32
    scf.for %scan3A_27 = %scan3A_1 to %scan3A_3 step %scan3A_4  : i32 {
      %broadcast_in_dim3A = arith.constant 1.000000e+00 : f32
      %broadcast_in_dim3A_28 = vector.broadcast %broadcast_in_dim3A : f32 to vector<16xf32>
      %mul3A_29 = arith.constant 16 : i32
      %mul3A_30 = arith.muli %scan3A_27, %mul3A_29 : i32
      %swap3A = arith.index_cast %mul3A_30 : i32 to index
      %swap3A_31 = tpu.vector_load %arg5[%swap3A] {strides = array<i32>} : memref<128xf32, #tpu.memory_space<vmem>>, vector<16xf32>,
      %swap3A_32 = vector.shape_cast %swap3A_31 : vector<16xf32> to vector<16xf32>
      %swap3A_33 = vector.shape_cast %broadcast_in_dim3A_28 : vector<16xf32> to vector<16xf32>
      tpu.vector_store %arg5[%swap3A], %swap3A_33 {strides = array<i32>} : memref<128xf32, #tpu.memory_space<vmem>>, vector<16xf32>,
    }
    %scan3A_5 = arith.constant 8 : i32
    %scan3A_6 = arith.constant 0 : i32
    %scan3A_7 = arith.constant 0 : i32
    %scan3A_8 = arith.constant 40 : i32
    %scan3A_9 = arith.addi %scan3A_7, %scan3A_8 : i32
    %scan3A_10 = arith.constant 1 : i32
    scf.for %scan3A_27 = %scan3A_7 to %scan3A_9 step %scan3A_10  : i32 {
      %broadcast_in_dim3A = arith.constant 0.000000e+00 : f32
      %broadcast_in_dim3A_28 = vector.broadcast %broadcast_in_dim3A : f32 to vector<16xf32>
      %mul3A_29 = arith.constant 16 : i32
      %mul3A_30 = arith.muli %scan3A_27, %mul3A_29 : i32
      %swap3A = arith.index_cast %mul3A_30 : i32 to index
      %swap3A_31 = tpu.vector_load %arg6[%swap3A] {strides = array<i32>} : memref<640xf32, #tpu.memory_space<vmem>>, vector<16xf32>,
      %swap3A_32 = vector.shape_cast %swap3A_31 : vector<16xf32> to vector<16xf32>
      %swap3A_33 = vector.shape_cast %broadcast_in_dim3A_28 : vector<16xf32> to vector<16xf32>
      tpu.vector_store %arg6[%swap3A], %swap3A_33 {strides = array<i32>} : memref<640xf32, #tpu.memory_space<vmem>>, vector<16xf32>,
    }
    %scan3A_11 = arith.constant 40 : i32
    %mul3A_12 = arith.constant 640 : i32
    %mul3A_13 = arith.muli %arg1, %mul3A_12 : i32
    "tpu.region"() ({
      %run_scoped3A = tpu.sem_alloc : memref<!tpu.dma_semaphore, #tpu.memory_space<semaphore_mem>>
      %dma_start3A = tpu.memref_slice %arg7[%mul3A_13] : memref<10240xf32, #tpu.memory_space<vmem_shared>> -> memref<640xf32, #tpu.memory_space<vmem_shared>>
      %dma_start3A_27 = tpu.memref_slice %arg7[%mul3A_13] : memref<10240xf32, #tpu.memory_space<vmem_shared>> -> memref<640xf32, #tpu.memory_space<vmem_shared>>
      tpu.enqueue_dma source(%arg6 : memref<640xf32, #tpu.memory_space<vmem>>) target(%dma_start3A_27 : memref<640xf32, #tpu.memory_space<vmem_shared>>) target_semaphore(%run_scoped3A : memref<!tpu.dma_semaphore, #tpu.memory_space<semaphore_mem>>)
      %dma_wait3A = tpu.memref_slice %arg7[%mul3A_13] : memref<10240xf32, #tpu.memory_space<vmem_shared>> -> memref<640xf32, #tpu.memory_space<vmem_shared>>
      %dma_wait3A_28 = tpu.memref_slice %arg7[%mul3A_13] : memref<10240xf32, #tpu.memory_space<vmem_shared>> -> memref<640xf32, #tpu.memory_space<vmem_shared>>
      tpu.wait_dma2 semaphore(%run_scoped3A : memref<!tpu.dma_semaphore, #tpu.memory_space<semaphore_mem>>) src(%arg6 : memref<640xf32, #tpu.memory_space<vmem>>) dst(%dma_wait3A_28 : memref<640xf32, #tpu.memory_space<vmem_shared>>)
      tpu.yield
    }) : () -> ()
    %mul3A_14 = arith.constant 80 : i32
    %mul3A_15 = arith.muli %add3A, %mul3A_14 : i32
    "tpu.region"() ({
      %run_scoped3A = tpu.sem_alloc : memref<!tpu.dma_semaphore, #tpu.memory_space<semaphore_mem>>
      %dma_start3A = arith.constant 0 : i32
      %dma_start3A_27 = tpu.memref_slice %arg2[%mul3A_15, %dma_start3A] : memref<2568x128xi32, #tpu.memory_space<hbm>> -> memref<80x128xi32, #tpu.memory_space<hbm>>
      %dma_start3A_28 = arith.constant 0 : i32
      %dma_start3A_29 = tpu.memref_slice %arg2[%mul3A_15, %dma_start3A_28] : memref<2568x128xi32, #tpu.memory_space<hbm>> -> memref<80x128xi32, #tpu.memory_space<hbm>>
      tpu.enqueue_dma source(%dma_start3A_29 : memref<80x128xi32, #tpu.memory_space<hbm>>) target(%arg4 : memref<80x128xi32, #tpu.memory_space<vmem>>) target_semaphore(%run_scoped3A : memref<!tpu.dma_semaphore, #tpu.memory_space<semaphore_mem>>)
      %dma_wait3A = arith.constant 0 : i32
      %dma_wait3A_30 = tpu.memref_slice %arg2[%mul3A_15, %dma_wait3A] : memref<2568x128xi32, #tpu.memory_space<hbm>> -> memref<80x128xi32, #tpu.memory_space<hbm>>
      %dma_wait3A_31 = arith.constant 0 : i32
      %dma_wait3A_32 = tpu.memref_slice %arg2[%mul3A_15, %dma_wait3A_31] : memref<2568x128xi32, #tpu.memory_space<hbm>> -> memref<80x128xi32, #tpu.memory_space<hbm>>
      tpu.wait_dma2 semaphore(%run_scoped3A : memref<!tpu.dma_semaphore, #tpu.memory_space<semaphore_mem>>) src(%dma_wait3A_32 : memref<80x128xi32, #tpu.memory_space<hbm>>) dst(%arg4 : memref<80x128xi32, #tpu.memory_space<vmem>>)
      tpu.yield
    }) : () -> ()
    %barrier3A = arith.constant 0 : index
    tpu.barrier barrier_id(%barrier3A)
    %scan3A_16 = arith.constant 0 : i32
    %scan3A_17 = arith.constant 0 : i32
    %scan3A_18 = arith.constant 80 : i32
    %scan3A_19 = arith.addi %scan3A_17, %scan3A_18 : i32
    %scan3A_20 = arith.constant 1 : i32
    scf.for %scan3A_27 = %scan3A_17 to %scan3A_19 step %scan3A_20  : i32 {
      "tpu.region"() ({
        %run_scoped3A = tpu.sem_alloc : memref<!tpu.dma_semaphore, #tpu.memory_space<semaphore_mem>>
        %dma_start3A = arith.constant 0 : i32
        %dma_start3A_28 = tpu.memref_slice %arg4[%scan3A_27, %dma_start3A] : memref<80x128xi32, #tpu.memory_space<vmem>> -> memref<1x128xi32, #tpu.memory_space<vmem>>
        %dma_start3A_29 = tpu.memref_squeeze %dma_start3A_28 : memref<1x128xi32, #tpu.memory_space<vmem>> -> memref<128xi32, #tpu.memory_space<vmem>>
        %dma_start3A_30 = arith.constant 0 : i32
        %dma_start3A_31 = tpu.memref_slice %arg7[%dma_start3A_30] : memref<10240xf32, #tpu.memory_space<vmem_shared>> -> memref<10240xf32, #tpu.memory_space<vmem_shared>>
        tpu.enqueue_indirect_dma source(%arg5 : memref<128xf32, #tpu.memory_space<vmem>>) target(%dma_start3A_31 : memref<10240xf32, #tpu.memory_space<vmem_shared>>) offsets(%dma_start3A_29 : memref<128xi32, #tpu.memory_space<vmem>>) semaphore(%run_scoped3A : memref<!tpu.dma_semaphore, #tpu.memory_space<semaphore_mem>>) {add = true}
        %dma_wait3A = arith.constant 0 : i32
        %dma_wait3A_32 = tpu.memref_slice %arg4[%scan3A_27, %dma_wait3A] : memref<80x128xi32, #tpu.memory_space<vmem>> -> memref<1x128xi32, #tpu.memory_space<vmem>>
        %dma_wait3A_33 = tpu.memref_squeeze %dma_wait3A_32 : memref<1x128xi32, #tpu.memory_space<vmem>> -> memref<128xi32, #tpu.memory_space<vmem>>
        %dma_wait3A_34 = arith.constant 0 : i32
        %dma_wait3A_35 = tpu.memref_slice %arg7[%dma_wait3A_34] : memref<10240xf32, #tpu.memory_space<vmem_shared>> -> memref<10240xf32, #tpu.memory_space<vmem_shared>>
        tpu.wait_indirect_dma semaphore(%run_scoped3A : memref<!tpu.dma_semaphore, #tpu.memory_space<semaphore_mem>>) src(%arg5 : memref<128xf32, #tpu.memory_space<vmem>>) dst(%dma_wait3A_35 : memref<10240xf32, #tpu.memory_space<vmem_shared>>)
        tpu.yield
      }) : () -> ()
    }
    %scan3A_21 = arith.constant 80 : i32
    %barrier3A_22 = arith.constant 0 : index
    tpu.barrier barrier_id(%barrier3A_22)
    %mul3A_23 = arith.constant 640 : i32
    %mul3A_24 = arith.muli %arg1, %mul3A_23 : i32
    "tpu.region"() ({
      %run_scoped3A = tpu.sem_alloc : memref<!tpu.dma_semaphore, #tpu.memory_space<semaphore_mem>>
      %dma_start3A = tpu.memref_slice %arg7[%mul3A_24] : memref<10240xf32, #tpu.memory_space<vmem_shared>> -> memref<640xf32, #tpu.memory_space<vmem_shared>>
      %dma_start3A_27 = tpu.memref_slice %arg7[%mul3A_24] : memref<10240xf32, #tpu.memory_space<vmem_shared>> -> memref<640xf32, #tpu.memory_space<vmem_shared>>
      tpu.enqueue_dma source(%dma_start3A_27 : memref<640xf32, #tpu.memory_space<vmem_shared>>) target(%arg6 : memref<640xf32, #tpu.memory_space<vmem>>) target_semaphore(%run_scoped3A : memref<!tpu.dma_semaphore, #tpu.memory_space<semaphore_mem>>)
      %dma_wait3A = tpu.memref_slice %arg7[%mul3A_24] : memref<10240xf32, #tpu.memory_space<vmem_shared>> -> memref<640xf32, #tpu.memory_space<vmem_shared>>
      %dma_wait3A_28 = tpu.memref_slice %arg7[%mul3A_24] : memref<10240xf32, #tpu.memory_space<vmem_shared>> -> memref<640xf32, #tpu.memory_space<vmem_shared>>
      tpu.wait_dma2 semaphore(%run_scoped3A : memref<!tpu.dma_semaphore, #tpu.memory_space<semaphore_mem>>) src(%dma_wait3A_28 : memref<640xf32, #tpu.memory_space<vmem_shared>>) dst(%arg6 : memref<640xf32, #tpu.memory_space<vmem>>)
      tpu.yield
    }) : () -> ()
    %mul3A_25 = arith.constant 640 : i32
    %mul3A_26 = arith.muli %add3A, %mul3A_25 : i32
    "tpu.region"() ({
      %run_scoped3A = tpu.sem_alloc : memref<!tpu.dma_semaphore, #tpu.memory_space<semaphore_mem>>
      %dma_start3A = tpu.memref_slice %arg3[%mul3A_26] : memref<20480xf32, #tpu.memory_space<hbm>> -> memref<640xf32, #tpu.memory_space<hbm>>
      %dma_start3A_27 = tpu.memref_slice %arg3[%mul3A_26] : memref<20480xf32, #tpu.memory_space<hbm>> -> memref<640xf32, #tpu.memory_space<hbm>>
      tpu.enqueue_dma source(%arg6 : memref<640xf32, #tpu.memory_space<vmem>>) target(%dma_start3A_27 : memref<640xf32, #tpu.memory_space<hbm>>) target_semaphore(%run_scoped3A : memref<!tpu.dma_semaphore, #tpu.memory_space<semaphore_mem>>)
      %dma_wait3A = tpu.memref_slice %arg3[%mul3A_26] : memref<20480xf32, #tpu.memory_space<hbm>> -> memref<640xf32, #tpu.memory_space<hbm>>
      %dma_wait3A_28 = tpu.memref_slice %arg3[%mul3A_26] : memref<20480xf32, #tpu.memory_space<hbm>> -> memref<640xf32, #tpu.memory_space<hbm>>
      tpu.wait_dma2 semaphore(%run_scoped3A : memref<!tpu.dma_semaphore, #tpu.memory_space<semaphore_mem>>) src(%arg6 : memref<640xf32, #tpu.memory_space<vmem>>) dst(%dma_wait3A_28 : memref<640xf32, #tpu.memory_space<hbm>>)
      tpu.yield
    }) : () -> ()
    return
  }
}

#map = affine_map<(d0, d1) -> (0, 0)>
module attributes {stable_mosaic.version = 14 : i64} {
  func.func @body(%arg0: i32, %arg1: i32, %arg2: memref<2568x128xi32, #tpu.memory_space<hbm>>, %arg3: memref<10240x128xf32, #tpu.memory_space<hbm>>, %arg4: memref<20480x128xf32, #tpu.memory_space<hbm>>, %arg5: memref<88x128xi32, #tpu.memory_space<vmem>>, %arg6: memref<4x128xi32, #tpu.memory_space<vmem>>, %arg7: memref<4x128xi32, #tpu.memory_space<vmem>>, %arg8: memref<128x128xf32, #tpu.memory_space<vmem>>, %arg9: memref<128x128xf32, #tpu.memory_space<vmem>>, %arg10: memref<10240x128xf32, #tpu.memory_space<vmem_shared>>, %arg11: memref<!tpu.dma_semaphore, #tpu.memory_space<semaphore_mem>>, %arg12: memref<!tpu.dma_semaphore, #tpu.memory_space<semaphore_mem>>) attributes {dimension_semantics = [#tpu.dimension_semantics<core_parallel>, #tpu.dimension_semantics<subcore_parallel>], iteration_bounds = array<i64: 2, 16>, scalar_prefetch = 0 : i64, scratch_operands = 8 : i64, tpu.core_type = #tpu.core_type<sc_vector_subcore>, window_params = [{transform_indices = #map}, {transform_indices = #map}, {transform_indices = #map}]} {
    %mul3A = arith.constant 16 : i32
    %mul3A_0 = arith.muli %arg0, %mul3A : i32
    %add3A = arith.addi %mul3A_0, %arg1 : i32
    %scan3A = arith.constant 0 : i32
    %scan3A_1 = arith.constant 0 : i32
    %scan3A_2 = arith.constant 1024 : i32
    %scan3A_3 = arith.addi %scan3A_1, %scan3A_2 : i32
    %scan3A_4 = arith.constant 1 : i32
    scf.for %scan3A_65 = %scan3A_1 to %scan3A_3 step %scan3A_4  : i32 {
      %broadcast_in_dim3A = arith.constant 0.000000e+00 : f32
      %broadcast_in_dim3A_66 = vector.broadcast %broadcast_in_dim3A : f32 to vector<16xf32>
      %jit3A = arith.constant 8 : i32
      %div3A = arith.divsi %scan3A_65, %jit3A : i32
      %sign3A = arith.constant 0 : i32
      %sign3A_67 = arith.cmpi sgt, %scan3A_65, %sign3A : i32
      %sign3A_68 = arith.extui %sign3A_67 : i1 to i32
      %sign3A_69 = arith.constant 0 : i32
      %sign3A_70 = arith.cmpi slt, %scan3A_65, %sign3A_69 : i32
      %sign3A_71 = arith.extui %sign3A_70 : i1 to i32
      %sign3A_72 = arith.subi %sign3A_68, %sign3A_71 : i32
      %sign3A_73 = arith.constant 0 : i32
      %sign3A_74 = arith.cmpi sgt, %jit3A, %sign3A_73 : i32
      %sign3A_75 = arith.extui %sign3A_74 : i1 to i32
      %sign3A_76 = arith.constant 0 : i32
      %sign3A_77 = arith.cmpi slt, %jit3A, %sign3A_76 : i32
      %sign3A_78 = arith.extui %sign3A_77 : i1 to i32
      %sign3A_79 = arith.subi %sign3A_75, %sign3A_78 : i32
      %ne3A = arith.cmpi ne, %sign3A_72, %sign3A_79 : i32
      %rem3A = arith.remsi %scan3A_65, %jit3A : i32
      %ne3A_80 = arith.constant 0 : i32
      %ne3A_81 = arith.cmpi ne, %rem3A, %ne3A_80 : i32
      %and3A = arith.andi %ne3A, %ne3A_81 : i1
      %sub3A = arith.constant 1 : i32
      %sub3A_82 = arith.subi %div3A, %sub3A : i32
      %select_n3A = arith.select %and3A, %sub3A_82, %div3A : i32
      %jit3A_83 = arith.constant 8 : i32
      %eq3A = arith.constant 0 : i32
      %eq3A_84 = arith.cmpi eq, %jit3A_83, %eq3A : i32
      %jit3A_85 = arith.constant 1 : i32
      %select_n3A_86 = arith.select %eq3A_84, %jit3A_85, %jit3A_83 : i32
      %rem3A_87 = arith.remsi %scan3A_65, %select_n3A_86 : i32
      %ne3A_88 = arith.constant 0 : i32
      %ne3A_89 = arith.cmpi ne, %rem3A_87, %ne3A_88 : i32
      %lt3A = arith.constant 0 : i32
      %lt3A_90 = arith.cmpi slt, %rem3A_87, %lt3A : i32
      %lt3A_91 = arith.constant 0 : i32
      %lt3A_92 = arith.cmpi slt, %select_n3A_86, %lt3A_91 : i32
      %ne3A_93 = arith.xori %lt3A_90, %lt3A_92 : i1
      %and3A_94 = arith.andi %ne3A_93, %ne3A_89 : i1
      %add3A_95 = arith.addi %rem3A_87, %select_n3A_86 : i32
      %select_n3A_96 = arith.select %and3A_94, %add3A_95, %rem3A_87 : i32
      %mul3A_97 = arith.constant 16 : i32
      %mul3A_98 = arith.muli %select_n3A_96, %mul3A_97 : i32
      %swap3A = arith.index_cast %select_n3A : i32 to index
      %swap3A_99 = arith.index_cast %mul3A_98 : i32 to index
      %swap3A_100 = tpu.vector_load %arg8[%swap3A, %swap3A_99] {strides = array<i32>} : memref<128x128xf32, #tpu.memory_space<vmem>>, vector<1x16xf32>,
      %swap3A_101 = vector.shape_cast %swap3A_100 : vector<1x16xf32> to vector<16xf32>
      %swap3A_102 = vector.shape_cast %broadcast_in_dim3A_66 : vector<16xf32> to vector<1x16xf32>
      tpu.vector_store %arg8[%swap3A, %swap3A_99], %swap3A_102 {strides = array<i32>} : memref<128x128xf32, #tpu.memory_space<vmem>>, vector<1x16xf32>,
    }
    %scan3A_5 = arith.constant 1024 : i32
    %scan3A_6 = arith.constant 0 : i32
    %scan3A_7 = arith.constant 0 : i32
    %scan3A_8 = arith.constant 5 : i32
    %scan3A_9 = arith.addi %scan3A_7, %scan3A_8 : i32
    %scan3A_10 = arith.constant 1 : i32
    scf.for %scan3A_65 = %scan3A_7 to %scan3A_9 step %scan3A_10  : i32 {
      %mul3A_66 = arith.constant 640 : i32
      %mul3A_67 = arith.muli %arg1, %mul3A_66 : i32
      %mul3A_68 = arith.constant 128 : i32
      %mul3A_69 = arith.muli %scan3A_65, %mul3A_68 : i32
      %add3A_70 = arith.addi %mul3A_67, %mul3A_69 : i32
      "tpu.region"() ({
        %run_scoped3A = tpu.sem_alloc : memref<!tpu.dma_semaphore, #tpu.memory_space<semaphore_mem>>
        %dma_start3A_71 = arith.constant 0 : i32
        %dma_start3A_72 = tpu.memref_slice %arg10[%add3A_70, %dma_start3A_71] : memref<10240x128xf32, #tpu.memory_space<vmem_shared>> -> memref<128x128xf32, #tpu.memory_space<vmem_shared>>
        %dma_start3A_73 = arith.constant 0 : i32
        %dma_start3A_74 = tpu.memref_slice %arg10[%add3A_70, %dma_start3A_73] : memref<10240x128xf32, #tpu.memory_space<vmem_shared>> -> memref<128x128xf32, #tpu.memory_space<vmem_shared>>
        tpu.enqueue_dma source(%arg8 : memref<128x128xf32, #tpu.memory_space<vmem>>) target(%dma_start3A_74 : memref<128x128xf32, #tpu.memory_space<vmem_shared>>) target_semaphore(%run_scoped3A : memref<!tpu.dma_semaphore, #tpu.memory_space<semaphore_mem>>)
        %dma_wait3A_75 = arith.constant 0 : i32
        %dma_wait3A_76 = tpu.memref_slice %arg10[%add3A_70, %dma_wait3A_75] : memref<10240x128xf32, #tpu.memory_space<vmem_shared>> -> memref<128x128xf32, #tpu.memory_space<vmem_shared>>
        %dma_wait3A_77 = arith.constant 0 : i32
        %dma_wait3A_78 = tpu.memref_slice %arg10[%add3A_70, %dma_wait3A_77] : memref<10240x128xf32, #tpu.memory_space<vmem_shared>> -> memref<128x128xf32, #tpu.memory_space<vmem_shared>>
        tpu.wait_dma2 semaphore(%run_scoped3A : memref<!tpu.dma_semaphore, #tpu.memory_space<semaphore_mem>>) src(%arg8 : memref<128x128xf32, #tpu.memory_space<vmem>>) dst(%dma_wait3A_78 : memref<128x128xf32, #tpu.memory_space<vmem_shared>>)
        tpu.yield
      }) : () -> ()
    }
    %scan3A_11 = arith.constant 5 : i32
    %mul3A_12 = arith.constant 80 : i32
    %mul3A_13 = arith.muli %add3A, %mul3A_12 : i32
    "tpu.region"() ({
      %run_scoped3A = tpu.sem_alloc : memref<!tpu.dma_semaphore, #tpu.memory_space<semaphore_mem>>
      %dma_start3A_65 = arith.constant 0 : i32
      %dma_start3A_66 = tpu.memref_slice %arg2[%mul3A_13, %dma_start3A_65] : memref<2568x128xi32, #tpu.memory_space<hbm>> -> memref<88x128xi32, #tpu.memory_space<hbm>>
      %dma_start3A_67 = arith.constant 0 : i32
      %dma_start3A_68 = tpu.memref_slice %arg2[%mul3A_13, %dma_start3A_67] : memref<2568x128xi32, #tpu.memory_space<hbm>> -> memref<88x128xi32, #tpu.memory_space<hbm>>
      tpu.enqueue_dma source(%dma_start3A_68 : memref<88x128xi32, #tpu.memory_space<hbm>>) target(%arg5 : memref<88x128xi32, #tpu.memory_space<vmem>>) target_semaphore(%run_scoped3A : memref<!tpu.dma_semaphore, #tpu.memory_space<semaphore_mem>>)
      %dma_wait3A_69 = arith.constant 0 : i32
      %dma_wait3A_70 = tpu.memref_slice %arg2[%mul3A_13, %dma_wait3A_69] : memref<2568x128xi32, #tpu.memory_space<hbm>> -> memref<88x128xi32, #tpu.memory_space<hbm>>
      %dma_wait3A_71 = arith.constant 0 : i32
      %dma_wait3A_72 = tpu.memref_slice %arg2[%mul3A_13, %dma_wait3A_71] : memref<2568x128xi32, #tpu.memory_space<hbm>> -> memref<88x128xi32, #tpu.memory_space<hbm>>
      tpu.wait_dma2 semaphore(%run_scoped3A : memref<!tpu.dma_semaphore, #tpu.memory_space<semaphore_mem>>) src(%dma_wait3A_72 : memref<88x128xi32, #tpu.memory_space<hbm>>) dst(%arg5 : memref<88x128xi32, #tpu.memory_space<vmem>>)
      tpu.yield
    }) : () -> ()
    %barrier3A = arith.constant 0 : index
    tpu.barrier barrier_id(%barrier3A)
    %scan3A_14 = arith.constant 0 : i32
    %scan3A_15 = arith.constant 0 : i32
    %scan3A_16 = arith.constant 8 : i32
    %scan3A_17 = arith.addi %scan3A_15, %scan3A_16 : i32
    %scan3A_18 = arith.constant 1 : i32
    scf.for %scan3A_65 = %scan3A_15 to %scan3A_17 step %scan3A_18  : i32 {
      %mul3A_66 = arith.constant 16 : i32
      %mul3A_67 = arith.muli %scan3A_65, %mul3A_66 : i32
      %get3A = arith.constant 0 : i32
      %get3A_68 = arith.index_cast %get3A : i32 to index
      %get3A_69 = arith.index_cast %mul3A_67 : i32 to index
      %get3A_70 = tpu.vector_load %arg5[%get3A_68, %get3A_69] {strides = array<i32>} : memref<88x128xi32, #tpu.memory_space<vmem>>, vector<1x16xi32>,
      %get3A_71 = vector.shape_cast %get3A_70 : vector<1x16xi32> to vector<16xi32>
      %shift_right_logical3A = arith.constant 14 : i32
      %shift_right_logical3A_72 = vector.broadcast %shift_right_logical3A : i32 to vector<16xi32>
      %shift_right_logical3A_73 = arith.shrui %get3A_71, %shift_right_logical3A_72 : vector<16xi32>
      %mul3A_74 = arith.constant 16 : i32
      %mul3A_75 = arith.muli %scan3A_65, %mul3A_74 : i32
      %swap3A = arith.constant 0 : i32
      %swap3A_76 = arith.index_cast %swap3A : i32 to index
      %swap3A_77 = arith.index_cast %mul3A_75 : i32 to index
      %swap3A_78 = tpu.vector_load %arg6[%swap3A_76, %swap3A_77] {strides = array<i32>} : memref<4x128xi32, #tpu.memory_space<vmem>>, vector<1x16xi32>,
      %swap3A_79 = vector.shape_cast %swap3A_78 : vector<1x16xi32> to vector<16xi32>
      %swap3A_80 = vector.shape_cast %shift_right_logical3A_73 : vector<16xi32> to vector<1x16xi32>
      tpu.vector_store %arg6[%swap3A_76, %swap3A_77], %swap3A_80 {strides = array<i32>} : memref<4x128xi32, #tpu.memory_space<vmem>>, vector<1x16xi32>,
    }
    %scan3A_19 = arith.constant 8 : i32
    %scan3A_20 = arith.constant 0 : i32
    %scan3A_21 = arith.constant 0 : i32
    %scan3A_22 = arith.constant 8 : i32
    %scan3A_23 = arith.addi %scan3A_21, %scan3A_22 : i32
    %scan3A_24 = arith.constant 1 : i32
    scf.for %scan3A_65 = %scan3A_21 to %scan3A_23 step %scan3A_24  : i32 {
      %mul3A_66 = arith.constant 16 : i32
      %mul3A_67 = arith.muli %scan3A_65, %mul3A_66 : i32
      %get3A = arith.constant 1 : i32
      %get3A_68 = arith.index_cast %get3A : i32 to index
      %get3A_69 = arith.index_cast %mul3A_67 : i32 to index
      %get3A_70 = tpu.vector_load %arg5[%get3A_68, %get3A_69] {strides = array<i32>} : memref<88x128xi32, #tpu.memory_space<vmem>>, vector<1x16xi32>,
      %get3A_71 = vector.shape_cast %get3A_70 : vector<1x16xi32> to vector<16xi32>
      %shift_right_logical3A = arith.constant 14 : i32
      %shift_right_logical3A_72 = vector.broadcast %shift_right_logical3A : i32 to vector<16xi32>
      %shift_right_logical3A_73 = arith.shrui %get3A_71, %shift_right_logical3A_72 : vector<16xi32>
      %mul3A_74 = arith.constant 16 : i32
      %mul3A_75 = arith.muli %scan3A_65, %mul3A_74 : i32
      %swap3A = arith.constant 1 : i32
      %swap3A_76 = arith.index_cast %swap3A : i32 to index
      %swap3A_77 = arith.index_cast %mul3A_75 : i32 to index
      %swap3A_78 = tpu.vector_load %arg6[%swap3A_76, %swap3A_77] {strides = array<i32>} : memref<4x128xi32, #tpu.memory_space<vmem>>, vector<1x16xi32>,
      %swap3A_79 = vector.shape_cast %swap3A_78 : vector<1x16xi32> to vector<16xi32>
      %swap3A_80 = vector.shape_cast %shift_right_logical3A_73 : vector<16xi32> to vector<1x16xi32>
      tpu.vector_store %arg6[%swap3A_76, %swap3A_77], %swap3A_80 {strides = array<i32>} : memref<4x128xi32, #tpu.memory_space<vmem>>, vector<1x16xi32>,
    }
    %scan3A_25 = arith.constant 8 : i32
    %dma_start3A = arith.constant 0 : i32
    %dma_start3A_26 = arith.constant 0 : i32
    %dma_start3A_27 = tpu.memref_slice %arg6[%dma_start3A, %dma_start3A_26] : memref<4x128xi32, #tpu.memory_space<vmem>> -> memref<1x128xi32, #tpu.memory_space<vmem>>
    %dma_start3A_28 = tpu.memref_squeeze %dma_start3A_27 : memref<1x128xi32, #tpu.memory_space<vmem>> -> memref<128xi32, #tpu.memory_space<vmem>>
    %dma_start3A_29 = arith.constant 0 : i32
    %dma_start3A_30 = arith.constant 0 : i32
    %dma_start3A_31 = tpu.memref_slice %arg3[%dma_start3A_29, %dma_start3A_30] : memref<10240x128xf32, #tpu.memory_space<hbm>> -> memref<10240x128xf32, #tpu.memory_space<hbm>>
    tpu.enqueue_indirect_dma source(%dma_start3A_31 : memref<10240x128xf32, #tpu.memory_space<hbm>>) target(%arg8 : memref<128x128xf32, #tpu.memory_space<vmem>>) offsets(%dma_start3A_28 : memref<128xi32, #tpu.memory_space<vmem>>) semaphore(%arg11 : memref<!tpu.dma_semaphore, #tpu.memory_space<semaphore_mem>>)
    %dma_start3A_32 = arith.constant 1 : i32
    %dma_start3A_33 = arith.constant 0 : i32
    %dma_start3A_34 = tpu.memref_slice %arg6[%dma_start3A_32, %dma_start3A_33] : memref<4x128xi32, #tpu.memory_space<vmem>> -> memref<1x128xi32, #tpu.memory_space<vmem>>
    %dma_start3A_35 = tpu.memref_squeeze %dma_start3A_34 : memref<1x128xi32, #tpu.memory_space<vmem>> -> memref<128xi32, #tpu.memory_space<vmem>>
    %dma_start3A_36 = arith.constant 0 : i32
    %dma_start3A_37 = arith.constant 0 : i32
    %dma_start3A_38 = tpu.memref_slice %arg3[%dma_start3A_36, %dma_start3A_37] : memref<10240x128xf32, #tpu.memory_space<hbm>> -> memref<10240x128xf32, #tpu.memory_space<hbm>>
    tpu.enqueue_indirect_dma source(%dma_start3A_38 : memref<10240x128xf32, #tpu.memory_space<hbm>>) target(%arg9 : memref<128x128xf32, #tpu.memory_space<vmem>>) offsets(%dma_start3A_35 : memref<128xi32, #tpu.memory_space<vmem>>) semaphore(%arg12 : memref<!tpu.dma_semaphore, #tpu.memory_space<semaphore_mem>>)
    %scan3A_39 = arith.constant 0 : i32
    %scan3A_40 = arith.constant 0 : i32
    %scan3A_41 = arith.constant 40 : i32
    %scan3A_42 = arith.addi %scan3A_40, %scan3A_41 : i32
    %scan3A_43 = arith.constant 1 : i32
    scf.for %scan3A_65 = %scan3A_40 to %scan3A_42 step %scan3A_43  : i32 {
      %mul3A_66 = arith.constant 2 : i32
      %mul3A_67 = arith.muli %mul3A_66, %scan3A_65 : i32
      %add3A_68 = arith.constant 1 : i32
      %add3A_69 = arith.addi %mul3A_67, %add3A_68 : i32
      %jit3A = arith.constant 4 : i32
      %eq3A = arith.constant 0 : i32
      %eq3A_70 = arith.cmpi eq, %jit3A, %eq3A : i32
      %jit3A_71 = arith.constant 1 : i32
      %select_n3A = arith.select %eq3A_70, %jit3A_71, %jit3A : i32
      %rem3A = arith.remsi %mul3A_67, %select_n3A : i32
      %ne3A = arith.constant 0 : i32
      %ne3A_72 = arith.cmpi ne, %rem3A, %ne3A : i32
      %lt3A = arith.constant 0 : i32
      %lt3A_73 = arith.cmpi slt, %rem3A, %lt3A : i32
      %lt3A_74 = arith.constant 0 : i32
      %lt3A_75 = arith.cmpi slt, %select_n3A, %lt3A_74 : i32
      %ne3A_76 = arith.xori %lt3A_73, %lt3A_75 : i1
      %and3A = arith.andi %ne3A_76, %ne3A_72 : i1
      %add3A_77 = arith.addi %rem3A, %select_n3A : i32
      %select_n3A_78 = arith.select %and3A, %add3A_77, %rem3A : i32
      %dma_wait3A_79 = arith.constant 0 : i32
      %dma_wait3A_80 = tpu.memref_slice %arg6[%select_n3A_78, %dma_wait3A_79] : memref<4x128xi32, #tpu.memory_space<vmem>> -> memref<1x128xi32, #tpu.memory_space<vmem>>
      %dma_wait3A_81 = tpu.memref_squeeze %dma_wait3A_80 : memref<1x128xi32, #tpu.memory_space<vmem>> -> memref<128xi32, #tpu.memory_space<vmem>>
      %dma_wait3A_82 = arith.constant 0 : i32
      %dma_wait3A_83 = arith.constant 0 : i32
      %dma_wait3A_84 = tpu.memref_slice %arg3[%dma_wait3A_82, %dma_wait3A_83] : memref<10240x128xf32, #tpu.memory_space<hbm>> -> memref<10240x128xf32, #tpu.memory_space<hbm>>
      tpu.wait_indirect_dma semaphore(%arg11 : memref<!tpu.dma_semaphore, #tpu.memory_space<semaphore_mem>>) src(%dma_wait3A_84 : memref<10240x128xf32, #tpu.memory_space<hbm>>) dst(%arg8 : memref<128x128xf32, #tpu.memory_space<vmem>>)
      %add3A_85 = arith.constant 2 : i32
      %add3A_86 = arith.addi %mul3A_67, %add3A_85 : i32
      %jit3A_87 = arith.constant 4 : i32
      %eq3A_88 = arith.constant 0 : i32
      %eq3A_89 = arith.cmpi eq, %jit3A_87, %eq3A_88 : i32
      %jit3A_90 = arith.constant 1 : i32
      %select_n3A_91 = arith.select %eq3A_89, %jit3A_90, %jit3A_87 : i32
      %rem3A_92 = arith.remsi %add3A_86, %select_n3A_91 : i32
      %ne3A_93 = arith.constant 0 : i32
      %ne3A_94 = arith.cmpi ne, %rem3A_92, %ne3A_93 : i32
      %lt3A_95 = arith.constant 0 : i32
      %lt3A_96 = arith.cmpi slt, %rem3A_92, %lt3A_95 : i32
      %lt3A_97 = arith.constant 0 : i32
      %lt3A_98 = arith.cmpi slt, %select_n3A_91, %lt3A_97 : i32
      %ne3A_99 = arith.xori %lt3A_96, %lt3A_98 : i1
      %and3A_100 = arith.andi %ne3A_99, %ne3A_94 : i1
      %add3A_101 = arith.addi %rem3A_92, %select_n3A_91 : i32
      %select_n3A_102 = arith.select %and3A_100, %add3A_101, %rem3A_92 : i32
      %scan3A_103 = arith.constant 0 : i32
      %scan3A_104 = arith.constant 0 : i32
      %scan3A_105 = arith.constant 8 : i32
      %scan3A_106 = arith.addi %scan3A_104, %scan3A_105 : i32
      %scan3A_107 = arith.constant 1 : i32
      scf.for %scan3A_279 = %scan3A_104 to %scan3A_106 step %scan3A_107  : i32 {
        %mul3A_280 = arith.constant 16 : i32
        %mul3A_281 = arith.muli %scan3A_279, %mul3A_280 : i32
        %get3A = arith.index_cast %add3A_86 : i32 to index
        %get3A_282 = arith.index_cast %mul3A_281 : i32 to index
        %get3A_283 = tpu.vector_load %arg5[%get3A, %get3A_282] {strides = array<i32>} : memref<88x128xi32, #tpu.memory_space<vmem>>, vector<1x16xi32>,
        %get3A_284 = vector.shape_cast %get3A_283 : vector<1x16xi32> to vector<16xi32>
        %shift_right_logical3A = arith.constant 14 : i32
        %shift_right_logical3A_285 = vector.broadcast %shift_right_logical3A : i32 to vector<16xi32>
        %shift_right_logical3A_286 = arith.shrui %get3A_284, %shift_right_logical3A_285 : vector<16xi32>
        %mul3A_287 = arith.constant 16 : i32
        %mul3A_288 = arith.muli %scan3A_279, %mul3A_287 : i32
        %swap3A = arith.index_cast %select_n3A_102 : i32 to index
        %swap3A_289 = arith.index_cast %mul3A_288 : i32 to index
        %swap3A_290 = tpu.vector_load %arg6[%swap3A, %swap3A_289] {strides = array<i32>} : memref<4x128xi32, #tpu.memory_space<vmem>>, vector<1x16xi32>,
        %swap3A_291 = vector.shape_cast %swap3A_290 : vector<1x16xi32> to vector<16xi32>
        %swap3A_292 = vector.shape_cast %shift_right_logical3A_286 : vector<16xi32> to vector<1x16xi32>
        tpu.vector_store %arg6[%swap3A, %swap3A_289], %swap3A_292 {strides = array<i32>} : memref<4x128xi32, #tpu.memory_space<vmem>>, vector<1x16xi32>,
      }
      %scan3A_108 = arith.constant 8 : i32
      %jit3A_109 = arith.constant 4 : i32
      %eq3A_110 = arith.constant 0 : i32
      %eq3A_111 = arith.cmpi eq, %jit3A_109, %eq3A_110 : i32
      %jit3A_112 = arith.constant 1 : i32
      %select_n3A_113 = arith.select %eq3A_111, %jit3A_112, %jit3A_109 : i32
      %rem3A_114 = arith.remsi %mul3A_67, %select_n3A_113 : i32
      %ne3A_115 = arith.constant 0 : i32
      %ne3A_116 = arith.cmpi ne, %rem3A_114, %ne3A_115 : i32
      %lt3A_117 = arith.constant 0 : i32
      %lt3A_118 = arith.cmpi slt, %rem3A_114, %lt3A_117 : i32
      %lt3A_119 = arith.constant 0 : i32
      %lt3A_120 = arith.cmpi slt, %select_n3A_113, %lt3A_119 : i32
      %ne3A_121 = arith.xori %lt3A_118, %lt3A_120 : i1
      %and3A_122 = arith.andi %ne3A_121, %ne3A_116 : i1
      %add3A_123 = arith.addi %rem3A_114, %select_n3A_113 : i32
      %select_n3A_124 = arith.select %and3A_122, %add3A_123, %rem3A_114 : i32
      %scan3A_125 = arith.constant 0 : i32
      %scan3A_126 = arith.constant 0 : i32
      %scan3A_127 = arith.constant 8 : i32
      %scan3A_128 = arith.addi %scan3A_126, %scan3A_127 : i32
      %scan3A_129 = arith.constant 1 : i32
      scf.for %scan3A_279 = %scan3A_126 to %scan3A_128 step %scan3A_129  : i32 {
        %mul3A_280 = arith.constant 16 : i32
        %mul3A_281 = arith.muli %scan3A_279, %mul3A_280 : i32
        %get3A = arith.index_cast %mul3A_67 : i32 to index
        %get3A_282 = arith.index_cast %mul3A_281 : i32 to index
        %get3A_283 = tpu.vector_load %arg5[%get3A, %get3A_282] {strides = array<i32>} : memref<88x128xi32, #tpu.memory_space<vmem>>, vector<1x16xi32>,
        %get3A_284 = vector.shape_cast %get3A_283 : vector<1x16xi32> to vector<16xi32>
        %and3A_285 = arith.constant 16383 : i32
        %and3A_286 = vector.broadcast %and3A_285 : i32 to vector<16xi32>
        %and3A_287 = arith.andi %get3A_284, %and3A_286 : vector<16xi32>
        %mul3A_288 = arith.constant 16 : i32
        %mul3A_289 = arith.muli %scan3A_279, %mul3A_288 : i32
        %swap3A = arith.index_cast %select_n3A_124 : i32 to index
        %swap3A_290 = arith.index_cast %mul3A_289 : i32 to index
        %swap3A_291 = tpu.vector_load %arg7[%swap3A, %swap3A_290] {strides = array<i32>} : memref<4x128xi32, #tpu.memory_space<vmem>>, vector<1x16xi32>,
        %swap3A_292 = vector.shape_cast %swap3A_291 : vector<1x16xi32> to vector<16xi32>
        %swap3A_293 = vector.shape_cast %and3A_287 : vector<16xi32> to vector<1x16xi32>
        tpu.vector_store %arg7[%swap3A, %swap3A_290], %swap3A_293 {strides = array<i32>} : memref<4x128xi32, #tpu.memory_space<vmem>>, vector<1x16xi32>,
      }
      %scan3A_130 = arith.constant 8 : i32
      %jit3A_131 = arith.constant 4 : i32
      %eq3A_132 = arith.constant 0 : i32
      %eq3A_133 = arith.cmpi eq, %jit3A_131, %eq3A_132 : i32
      %jit3A_134 = arith.constant 1 : i32
      %select_n3A_135 = arith.select %eq3A_133, %jit3A_134, %jit3A_131 : i32
      %rem3A_136 = arith.remsi %mul3A_67, %select_n3A_135 : i32
      %ne3A_137 = arith.constant 0 : i32
      %ne3A_138 = arith.cmpi ne, %rem3A_136, %ne3A_137 : i32
      %lt3A_139 = arith.constant 0 : i32
      %lt3A_140 = arith.cmpi slt, %rem3A_136, %lt3A_139 : i32
      %lt3A_141 = arith.constant 0 : i32
      %lt3A_142 = arith.cmpi slt, %select_n3A_135, %lt3A_141 : i32
      %ne3A_143 = arith.xori %lt3A_140, %lt3A_142 : i1
      %and3A_144 = arith.andi %ne3A_143, %ne3A_138 : i1
      %add3A_145 = arith.addi %rem3A_136, %select_n3A_135 : i32
      %select_n3A_146 = arith.select %and3A_144, %add3A_145, %rem3A_136 : i32
      "tpu.region"() ({
        %run_scoped3A = tpu.sem_alloc : memref<!tpu.dma_semaphore, #tpu.memory_space<semaphore_mem>>
        %dma_start3A_279 = arith.constant 0 : i32
        %dma_start3A_280 = tpu.memref_slice %arg7[%select_n3A_146, %dma_start3A_279] : memref<4x128xi32, #tpu.memory_space<vmem>> -> memref<1x128xi32, #tpu.memory_space<vmem>>
        %dma_start3A_281 = tpu.memref_squeeze %dma_start3A_280 : memref<1x128xi32, #tpu.memory_space<vmem>> -> memref<128xi32, #tpu.memory_space<vmem>>
        %dma_start3A_282 = arith.constant 0 : i32
        %dma_start3A_283 = arith.constant 0 : i32
        %dma_start3A_284 = tpu.memref_slice %arg10[%dma_start3A_282, %dma_start3A_283] : memref<10240x128xf32, #tpu.memory_space<vmem_shared>> -> memref<10240x128xf32, #tpu.memory_space<vmem_shared>>
        tpu.enqueue_indirect_dma source(%arg8 : memref<128x128xf32, #tpu.memory_space<vmem>>) target(%dma_start3A_284 : memref<10240x128xf32, #tpu.memory_space<vmem_shared>>) offsets(%dma_start3A_281 : memref<128xi32, #tpu.memory_space<vmem>>) semaphore(%run_scoped3A : memref<!tpu.dma_semaphore, #tpu.memory_space<semaphore_mem>>) {add = true}
        %dma_wait3A_285 = arith.constant 0 : i32
        %dma_wait3A_286 = tpu.memref_slice %arg7[%select_n3A_146, %dma_wait3A_285] : memref<4x128xi32, #tpu.memory_space<vmem>> -> memref<1x128xi32, #tpu.memory_space<vmem>>
        %dma_wait3A_287 = tpu.memref_squeeze %dma_wait3A_286 : memref<1x128xi32, #tpu.memory_space<vmem>> -> memref<128xi32, #tpu.memory_space<vmem>>
        %dma_wait3A_288 = arith.constant 0 : i32
        %dma_wait3A_289 = arith.constant 0 : i32
        %dma_wait3A_290 = tpu.memref_slice %arg10[%dma_wait3A_288, %dma_wait3A_289] : memref<10240x128xf32, #tpu.memory_space<vmem_shared>> -> memref<10240x128xf32, #tpu.memory_space<vmem_shared>>
        tpu.wait_indirect_dma semaphore(%run_scoped3A : memref<!tpu.dma_semaphore, #tpu.memory_space<semaphore_mem>>) src(%arg8 : memref<128x128xf32, #tpu.memory_space<vmem>>) dst(%dma_wait3A_290 : memref<10240x128xf32, #tpu.memory_space<vmem_shared>>)
        tpu.yield
      }) : () -> ()
      %add3A_147 = arith.constant 2 : i32
      %add3A_148 = arith.addi %mul3A_67, %add3A_147 : i32
      %jit3A_149 = arith.constant 4 : i32
      %eq3A_150 = arith.constant 0 : i32
      %eq3A_151 = arith.cmpi eq, %jit3A_149, %eq3A_150 : i32
      %jit3A_152 = arith.constant 1 : i32
      %select_n3A_153 = arith.select %eq3A_151, %jit3A_152, %jit3A_149 : i32
      %rem3A_154 = arith.remsi %add3A_148, %select_n3A_153 : i32
      %ne3A_155 = arith.constant 0 : i32
      %ne3A_156 = arith.cmpi ne, %rem3A_154, %ne3A_155 : i32
      %lt3A_157 = arith.constant 0 : i32
      %lt3A_158 = arith.cmpi slt, %rem3A_154, %lt3A_157 : i32
      %lt3A_159 = arith.constant 0 : i32
      %lt3A_160 = arith.cmpi slt, %select_n3A_153, %lt3A_159 : i32
      %ne3A_161 = arith.xori %lt3A_158, %lt3A_160 : i1
      %and3A_162 = arith.andi %ne3A_161, %ne3A_156 : i1
      %add3A_163 = arith.addi %rem3A_154, %select_n3A_153 : i32
      %select_n3A_164 = arith.select %and3A_162, %add3A_163, %rem3A_154 : i32
      %dma_start3A_165 = arith.constant 0 : i32
      %dma_start3A_166 = tpu.memref_slice %arg6[%select_n3A_164, %dma_start3A_165] : memref<4x128xi32, #tpu.memory_space<vmem>> -> memref<1x128xi32, #tpu.memory_space<vmem>>
      %dma_start3A_167 = tpu.memref_squeeze %dma_start3A_166 : memref<1x128xi32, #tpu.memory_space<vmem>> -> memref<128xi32, #tpu.memory_space<vmem>>
      %dma_start3A_168 = arith.constant 0 : i32
      %dma_start3A_169 = arith.constant 0 : i32
      %dma_start3A_170 = tpu.memref_slice %arg3[%dma_start3A_168, %dma_start3A_169] : memref<10240x128xf32, #tpu.memory_space<hbm>> -> memref<10240x128xf32, #tpu.memory_space<hbm>>
      tpu.enqueue_indirect_dma source(%dma_start3A_170 : memref<10240x128xf32, #tpu.memory_space<hbm>>) target(%arg8 : memref<128x128xf32, #tpu.memory_space<vmem>>) offsets(%dma_start3A_167 : memref<128xi32, #tpu.memory_space<vmem>>) semaphore(%arg11 : memref<!tpu.dma_semaphore, #tpu.memory_space<semaphore_mem>>)
      %jit3A_171 = arith.constant 4 : i32
      %eq3A_172 = arith.constant 0 : i32
      %eq3A_173 = arith.cmpi eq, %jit3A_171, %eq3A_172 : i32
      %jit3A_174 = arith.constant 1 : i32
      %select_n3A_175 = arith.select %eq3A_173, %jit3A_174, %jit3A_171 : i32
      %rem3A_176 = arith.remsi %add3A_69, %select_n3A_175 : i32
      %ne3A_177 = arith.constant 0 : i32
      %ne3A_178 = arith.cmpi ne, %rem3A_176, %ne3A_177 : i32
      %lt3A_179 = arith.constant 0 : i32
      %lt3A_180 = arith.cmpi slt, %rem3A_176, %lt3A_179 : i32
      %lt3A_181 = arith.constant 0 : i32
      %lt3A_182 = arith.cmpi slt, %select_n3A_175, %lt3A_181 : i32
      %ne3A_183 = arith.xori %lt3A_180, %lt3A_182 : i1
      %and3A_184 = arith.andi %ne3A_183, %ne3A_178 : i1
      %add3A_185 = arith.addi %rem3A_176, %select_n3A_175 : i32
      %select_n3A_186 = arith.select %and3A_184, %add3A_185, %rem3A_176 : i32
      %dma_wait3A_187 = arith.constant 0 : i32
      %dma_wait3A_188 = tpu.memref_slice %arg6[%select_n3A_186, %dma_wait3A_187] : memref<4x128xi32, #tpu.memory_space<vmem>> -> memref<1x128xi32, #tpu.memory_space<vmem>>
      %dma_wait3A_189 = tpu.memref_squeeze %dma_wait3A_188 : memref<1x128xi32, #tpu.memory_space<vmem>> -> memref<128xi32, #tpu.memory_space<vmem>>
      %dma_wait3A_190 = arith.constant 0 : i32
      %dma_wait3A_191 = arith.constant 0 : i32
      %dma_wait3A_192 = tpu.memref_slice %arg3[%dma_wait3A_190, %dma_wait3A_191] : memref<10240x128xf32, #tpu.memory_space<hbm>> -> memref<10240x128xf32, #tpu.memory_space<hbm>>
      tpu.wait_indirect_dma semaphore(%arg12 : memref<!tpu.dma_semaphore, #tpu.memory_space<semaphore_mem>>) src(%dma_wait3A_192 : memref<10240x128xf32, #tpu.memory_space<hbm>>) dst(%arg9 : memref<128x128xf32, #tpu.memory_space<vmem>>)
      %add3A_193 = arith.constant 2 : i32
      %add3A_194 = arith.addi %add3A_69, %add3A_193 : i32
      %jit3A_195 = arith.constant 4 : i32
      %eq3A_196 = arith.constant 0 : i32
      %eq3A_197 = arith.cmpi eq, %jit3A_195, %eq3A_196 : i32
      %jit3A_198 = arith.constant 1 : i32
      %select_n3A_199 = arith.select %eq3A_197, %jit3A_198, %jit3A_195 : i32
      %rem3A_200 = arith.remsi %add3A_194, %select_n3A_199 : i32
      %ne3A_201 = arith.constant 0 : i32
      %ne3A_202 = arith.cmpi ne, %rem3A_200, %ne3A_201 : i32
      %lt3A_203 = arith.constant 0 : i32
      %lt3A_204 = arith.cmpi slt, %rem3A_200, %lt3A_203 : i32
      %lt3A_205 = arith.constant 0 : i32
      %lt3A_206 = arith.cmpi slt, %select_n3A_199, %lt3A_205 : i32
      %ne3A_207 = arith.xori %lt3A_204, %lt3A_206 : i1
      %and3A_208 = arith.andi %ne3A_207, %ne3A_202 : i1
      %add3A_209 = arith.addi %rem3A_200, %select_n3A_199 : i32
      %select_n3A_210 = arith.select %and3A_208, %add3A_209, %rem3A_200 : i32
      %scan3A_211 = arith.constant 0 : i32
      %scan3A_212 = arith.constant 0 : i32
      %scan3A_213 = arith.constant 8 : i32
      %scan3A_214 = arith.addi %scan3A_212, %scan3A_213 : i32
      %scan3A_215 = arith.constant 1 : i32
      scf.for %scan3A_279 = %scan3A_212 to %scan3A_214 step %scan3A_215  : i32 {
        %mul3A_280 = arith.constant 16 : i32
        %mul3A_281 = arith.muli %scan3A_279, %mul3A_280 : i32
        %get3A = arith.index_cast %add3A_194 : i32 to index
        %get3A_282 = arith.index_cast %mul3A_281 : i32 to index
        %get3A_283 = tpu.vector_load %arg5[%get3A, %get3A_282] {strides = array<i32>} : memref<88x128xi32, #tpu.memory_space<vmem>>, vector<1x16xi32>,
        %get3A_284 = vector.shape_cast %get3A_283 : vector<1x16xi32> to vector<16xi32>
        %shift_right_logical3A = arith.constant 14 : i32
        %shift_right_logical3A_285 = vector.broadcast %shift_right_logical3A : i32 to vector<16xi32>
        %shift_right_logical3A_286 = arith.shrui %get3A_284, %shift_right_logical3A_285 : vector<16xi32>
        %mul3A_287 = arith.constant 16 : i32
        %mul3A_288 = arith.muli %scan3A_279, %mul3A_287 : i32
        %swap3A = arith.index_cast %select_n3A_210 : i32 to index
        %swap3A_289 = arith.index_cast %mul3A_288 : i32 to index
        %swap3A_290 = tpu.vector_load %arg6[%swap3A, %swap3A_289] {strides = array<i32>} : memref<4x128xi32, #tpu.memory_space<vmem>>, vector<1x16xi32>,
        %swap3A_291 = vector.shape_cast %swap3A_290 : vector<1x16xi32> to vector<16xi32>
        %swap3A_292 = vector.shape_cast %shift_right_logical3A_286 : vector<16xi32> to vector<1x16xi32>
        tpu.vector_store %arg6[%swap3A, %swap3A_289], %swap3A_292 {strides = array<i32>} : memref<4x128xi32, #tpu.memory_space<vmem>>, vector<1x16xi32>,
      }
      %scan3A_216 = arith.constant 8 : i32
      %jit3A_217 = arith.constant 4 : i32
      %eq3A_218 = arith.constant 0 : i32
      %eq3A_219 = arith.cmpi eq, %jit3A_217, %eq3A_218 : i32
      %jit3A_220 = arith.constant 1 : i32
      %select_n3A_221 = arith.select %eq3A_219, %jit3A_220, %jit3A_217 : i32
      %rem3A_222 = arith.remsi %add3A_69, %select_n3A_221 : i32
      %ne3A_223 = arith.constant 0 : i32
      %ne3A_224 = arith.cmpi ne, %rem3A_222, %ne3A_223 : i32
      %lt3A_225 = arith.constant 0 : i32
      %lt3A_226 = arith.cmpi slt, %rem3A_222, %lt3A_225 : i32
      %lt3A_227 = arith.constant 0 : i32
      %lt3A_228 = arith.cmpi slt, %select_n3A_221, %lt3A_227 : i32
      %ne3A_229 = arith.xori %lt3A_226, %lt3A_228 : i1
      %and3A_230 = arith.andi %ne3A_229, %ne3A_224 : i1
      %add3A_231 = arith.addi %rem3A_222, %select_n3A_221 : i32
      %select_n3A_232 = arith.select %and3A_230, %add3A_231, %rem3A_222 : i32
      %scan3A_233 = arith.constant 0 : i32
      %scan3A_234 = arith.constant 0 : i32
      %scan3A_235 = arith.constant 8 : i32
      %scan3A_236 = arith.addi %scan3A_234, %scan3A_235 : i32
      %scan3A_237 = arith.constant 1 : i32
      scf.for %scan3A_279 = %scan3A_234 to %scan3A_236 step %scan3A_237  : i32 {
        %mul3A_280 = arith.constant 16 : i32
        %mul3A_281 = arith.muli %scan3A_279, %mul3A_280 : i32
        %get3A = arith.index_cast %add3A_69 : i32 to index
        %get3A_282 = arith.index_cast %mul3A_281 : i32 to index
        %get3A_283 = tpu.vector_load %arg5[%get3A, %get3A_282] {strides = array<i32>} : memref<88x128xi32, #tpu.memory_space<vmem>>, vector<1x16xi32>,
        %get3A_284 = vector.shape_cast %get3A_283 : vector<1x16xi32> to vector<16xi32>
        %and3A_285 = arith.constant 16383 : i32
        %and3A_286 = vector.broadcast %and3A_285 : i32 to vector<16xi32>
        %and3A_287 = arith.andi %get3A_284, %and3A_286 : vector<16xi32>
        %mul3A_288 = arith.constant 16 : i32
        %mul3A_289 = arith.muli %scan3A_279, %mul3A_288 : i32
        %swap3A = arith.index_cast %select_n3A_232 : i32 to index
        %swap3A_290 = arith.index_cast %mul3A_289 : i32 to index
        %swap3A_291 = tpu.vector_load %arg7[%swap3A, %swap3A_290] {strides = array<i32>} : memref<4x128xi32, #tpu.memory_space<vmem>>, vector<1x16xi32>,
        %swap3A_292 = vector.shape_cast %swap3A_291 : vector<1x16xi32> to vector<16xi32>
        %swap3A_293 = vector.shape_cast %and3A_287 : vector<16xi32> to vector<1x16xi32>
        tpu.vector_store %arg7[%swap3A, %swap3A_290], %swap3A_293 {strides = array<i32>} : memref<4x128xi32, #tpu.memory_space<vmem>>, vector<1x16xi32>,
      }
      %scan3A_238 = arith.constant 8 : i32
      %jit3A_239 = arith.constant 4 : i32
      %eq3A_240 = arith.constant 0 : i32
      %eq3A_241 = arith.cmpi eq, %jit3A_239, %eq3A_240 : i32
      %jit3A_242 = arith.constant 1 : i32
      %select_n3A_243 = arith.select %eq3A_241, %jit3A_242, %jit3A_239 : i32
      %rem3A_244 = arith.remsi %add3A_69, %select_n3A_243 : i32
      %ne3A_245 = arith.constant 0 : i32
      %ne3A_246 = arith.cmpi ne, %rem3A_244, %ne3A_245 : i32
      %lt3A_247 = arith.constant 0 : i32
      %lt3A_248 = arith.cmpi slt, %rem3A_244, %lt3A_247 : i32
      %lt3A_249 = arith.constant 0 : i32
      %lt3A_250 = arith.cmpi slt, %select_n3A_243, %lt3A_249 : i32
      %ne3A_251 = arith.xori %lt3A_248, %lt3A_250 : i1
      %and3A_252 = arith.andi %ne3A_251, %ne3A_246 : i1
      %add3A_253 = arith.addi %rem3A_244, %select_n3A_243 : i32
      %select_n3A_254 = arith.select %and3A_252, %add3A_253, %rem3A_244 : i32
      "tpu.region"() ({
        %run_scoped3A = tpu.sem_alloc : memref<!tpu.dma_semaphore, #tpu.memory_space<semaphore_mem>>
        %dma_start3A_279 = arith.constant 0 : i32
        %dma_start3A_280 = tpu.memref_slice %arg7[%select_n3A_254, %dma_start3A_279] : memref<4x128xi32, #tpu.memory_space<vmem>> -> memref<1x128xi32, #tpu.memory_space<vmem>>
        %dma_start3A_281 = tpu.memref_squeeze %dma_start3A_280 : memref<1x128xi32, #tpu.memory_space<vmem>> -> memref<128xi32, #tpu.memory_space<vmem>>
        %dma_start3A_282 = arith.constant 0 : i32
        %dma_start3A_283 = arith.constant 0 : i32
        %dma_start3A_284 = tpu.memref_slice %arg10[%dma_start3A_282, %dma_start3A_283] : memref<10240x128xf32, #tpu.memory_space<vmem_shared>> -> memref<10240x128xf32, #tpu.memory_space<vmem_shared>>
        tpu.enqueue_indirect_dma source(%arg9 : memref<128x128xf32, #tpu.memory_space<vmem>>) target(%dma_start3A_284 : memref<10240x128xf32, #tpu.memory_space<vmem_shared>>) offsets(%dma_start3A_281 : memref<128xi32, #tpu.memory_space<vmem>>) semaphore(%run_scoped3A : memref<!tpu.dma_semaphore, #tpu.memory_space<semaphore_mem>>) {add = true}
        %dma_wait3A_285 = arith.constant 0 : i32
        %dma_wait3A_286 = tpu.memref_slice %arg7[%select_n3A_254, %dma_wait3A_285] : memref<4x128xi32, #tpu.memory_space<vmem>> -> memref<1x128xi32, #tpu.memory_space<vmem>>
        %dma_wait3A_287 = tpu.memref_squeeze %dma_wait3A_286 : memref<1x128xi32, #tpu.memory_space<vmem>> -> memref<128xi32, #tpu.memory_space<vmem>>
        %dma_wait3A_288 = arith.constant 0 : i32
        %dma_wait3A_289 = arith.constant 0 : i32
        %dma_wait3A_290 = tpu.memref_slice %arg10[%dma_wait3A_288, %dma_wait3A_289] : memref<10240x128xf32, #tpu.memory_space<vmem_shared>> -> memref<10240x128xf32, #tpu.memory_space<vmem_shared>>
        tpu.wait_indirect_dma semaphore(%run_scoped3A : memref<!tpu.dma_semaphore, #tpu.memory_space<semaphore_mem>>) src(%arg9 : memref<128x128xf32, #tpu.memory_space<vmem>>) dst(%dma_wait3A_290 : memref<10240x128xf32, #tpu.memory_space<vmem_shared>>)
        tpu.yield
      }) : () -> ()
      %add3A_255 = arith.constant 2 : i32
      %add3A_256 = arith.addi %add3A_69, %add3A_255 : i32
      %jit3A_257 = arith.constant 4 : i32
      %eq3A_258 = arith.constant 0 : i32
      %eq3A_259 = arith.cmpi eq, %jit3A_257, %eq3A_258 : i32
      %jit3A_260 = arith.constant 1 : i32
      %select_n3A_261 = arith.select %eq3A_259, %jit3A_260, %jit3A_257 : i32
      %rem3A_262 = arith.remsi %add3A_256, %select_n3A_261 : i32
      %ne3A_263 = arith.constant 0 : i32
      %ne3A_264 = arith.cmpi ne, %rem3A_262, %ne3A_263 : i32
      %lt3A_265 = arith.constant 0 : i32
      %lt3A_266 = arith.cmpi slt, %rem3A_262, %lt3A_265 : i32
      %lt3A_267 = arith.constant 0 : i32
      %lt3A_268 = arith.cmpi slt, %select_n3A_261, %lt3A_267 : i32
      %ne3A_269 = arith.xori %lt3A_266, %lt3A_268 : i1
      %and3A_270 = arith.andi %ne3A_269, %ne3A_264 : i1
      %add3A_271 = arith.addi %rem3A_262, %select_n3A_261 : i32
      %select_n3A_272 = arith.select %and3A_270, %add3A_271, %rem3A_262 : i32
      %dma_start3A_273 = arith.constant 0 : i32
      %dma_start3A_274 = tpu.memref_slice %arg6[%select_n3A_272, %dma_start3A_273] : memref<4x128xi32, #tpu.memory_space<vmem>> -> memref<1x128xi32, #tpu.memory_space<vmem>>
      %dma_start3A_275 = tpu.memref_squeeze %dma_start3A_274 : memref<1x128xi32, #tpu.memory_space<vmem>> -> memref<128xi32, #tpu.memory_space<vmem>>
      %dma_start3A_276 = arith.constant 0 : i32
      %dma_start3A_277 = arith.constant 0 : i32
      %dma_start3A_278 = tpu.memref_slice %arg3[%dma_start3A_276, %dma_start3A_277] : memref<10240x128xf32, #tpu.memory_space<hbm>> -> memref<10240x128xf32, #tpu.memory_space<hbm>>
      tpu.enqueue_indirect_dma source(%dma_start3A_278 : memref<10240x128xf32, #tpu.memory_space<hbm>>) target(%arg9 : memref<128x128xf32, #tpu.memory_space<vmem>>) offsets(%dma_start3A_275 : memref<128xi32, #tpu.memory_space<vmem>>) semaphore(%arg12 : memref<!tpu.dma_semaphore, #tpu.memory_space<semaphore_mem>>)
    }
    %scan3A_44 = arith.constant 40 : i32
    %dma_wait3A = arith.constant 0 : i32
    %dma_wait3A_45 = arith.constant 0 : i32
    %dma_wait3A_46 = tpu.memref_slice %arg6[%dma_wait3A, %dma_wait3A_45] : memref<4x128xi32, #tpu.memory_space<vmem>> -> memref<1x128xi32, #tpu.memory_space<vmem>>
    %dma_wait3A_47 = tpu.memref_squeeze %dma_wait3A_46 : memref<1x128xi32, #tpu.memory_space<vmem>> -> memref<128xi32, #tpu.memory_space<vmem>>
    %dma_wait3A_48 = arith.constant 0 : i32
    %dma_wait3A_49 = arith.constant 0 : i32
    %dma_wait3A_50 = tpu.memref_slice %arg3[%dma_wait3A_48, %dma_wait3A_49] : memref<10240x128xf32, #tpu.memory_space<hbm>> -> memref<10240x128xf32, #tpu.memory_space<hbm>>
    tpu.wait_indirect_dma semaphore(%arg11 : memref<!tpu.dma_semaphore, #tpu.memory_space<semaphore_mem>>) src(%dma_wait3A_50 : memref<10240x128xf32, #tpu.memory_space<hbm>>) dst(%arg8 : memref<128x128xf32, #tpu.memory_space<vmem>>)
    %dma_wait3A_51 = arith.constant 1 : i32
    %dma_wait3A_52 = arith.constant 0 : i32
    %dma_wait3A_53 = tpu.memref_slice %arg6[%dma_wait3A_51, %dma_wait3A_52] : memref<4x128xi32, #tpu.memory_space<vmem>> -> memref<1x128xi32, #tpu.memory_space<vmem>>
    %dma_wait3A_54 = tpu.memref_squeeze %dma_wait3A_53 : memref<1x128xi32, #tpu.memory_space<vmem>> -> memref<128xi32, #tpu.memory_space<vmem>>
    %dma_wait3A_55 = arith.constant 0 : i32
    %dma_wait3A_56 = arith.constant 0 : i32
    %dma_wait3A_57 = tpu.memref_slice %arg3[%dma_wait3A_55, %dma_wait3A_56] : memref<10240x128xf32, #tpu.memory_space<hbm>> -> memref<10240x128xf32, #tpu.memory_space<hbm>>
    tpu.wait_indirect_dma semaphore(%arg12 : memref<!tpu.dma_semaphore, #tpu.memory_space<semaphore_mem>>) src(%dma_wait3A_57 : memref<10240x128xf32, #tpu.memory_space<hbm>>) dst(%arg9 : memref<128x128xf32, #tpu.memory_space<vmem>>)
    %barrier3A_58 = arith.constant 0 : index
    tpu.barrier barrier_id(%barrier3A_58)
    %scan3A_59 = arith.constant 0 : i32
    %scan3A_60 = arith.constant 0 : i32
    %scan3A_61 = arith.constant 5 : i32
    %scan3A_62 = arith.addi %scan3A_60, %scan3A_61 : i32
    %scan3A_63 = arith.constant 1 : i32
    scf.for %scan3A_65 = %scan3A_60 to %scan3A_62 step %scan3A_63  : i32 {
      %mul3A_66 = arith.constant 640 : i32
      %mul3A_67 = arith.muli %arg1, %mul3A_66 : i32
      %mul3A_68 = arith.constant 128 : i32
      %mul3A_69 = arith.muli %scan3A_65, %mul3A_68 : i32
      %add3A_70 = arith.addi %mul3A_67, %mul3A_69 : i32
      "tpu.region"() ({
        %run_scoped3A = tpu.sem_alloc : memref<!tpu.dma_semaphore, #tpu.memory_space<semaphore_mem>>
        %dma_start3A_76 = arith.constant 0 : i32
        %dma_start3A_77 = tpu.memref_slice %arg10[%add3A_70, %dma_start3A_76] : memref<10240x128xf32, #tpu.memory_space<vmem_shared>> -> memref<128x128xf32, #tpu.memory_space<vmem_shared>>
        %dma_start3A_78 = arith.constant 0 : i32
        %dma_start3A_79 = tpu.memref_slice %arg10[%add3A_70, %dma_start3A_78] : memref<10240x128xf32, #tpu.memory_space<vmem_shared>> -> memref<128x128xf32, #tpu.memory_space<vmem_shared>>
        tpu.enqueue_dma source(%dma_start3A_79 : memref<128x128xf32, #tpu.memory_space<vmem_shared>>) target(%arg8 : memref<128x128xf32, #tpu.memory_space<vmem>>) target_semaphore(%run_scoped3A : memref<!tpu.dma_semaphore, #tpu.memory_space<semaphore_mem>>)
        %dma_wait3A_80 = arith.constant 0 : i32
        %dma_wait3A_81 = tpu.memref_slice %arg10[%add3A_70, %dma_wait3A_80] : memref<10240x128xf32, #tpu.memory_space<vmem_shared>> -> memref<128x128xf32, #tpu.memory_space<vmem_shared>>
        %dma_wait3A_82 = arith.constant 0 : i32
        %dma_wait3A_83 = tpu.memref_slice %arg10[%add3A_70, %dma_wait3A_82] : memref<10240x128xf32, #tpu.memory_space<vmem_shared>> -> memref<128x128xf32, #tpu.memory_space<vmem_shared>>
        tpu.wait_dma2 semaphore(%run_scoped3A : memref<!tpu.dma_semaphore, #tpu.memory_space<semaphore_mem>>) src(%dma_wait3A_83 : memref<128x128xf32, #tpu.memory_space<vmem_shared>>) dst(%arg8 : memref<128x128xf32, #tpu.memory_space<vmem>>)
        tpu.yield
      }) : () -> ()
      %mul3A_71 = arith.constant 640 : i32
      %mul3A_72 = arith.muli %add3A, %mul3A_71 : i32
      %mul3A_73 = arith.constant 128 : i32
      %mul3A_74 = arith.muli %scan3A_65, %mul3A_73 : i32
      %add3A_75 = arith.addi %mul3A_72, %mul3A_74 : i32
      "tpu.region"() ({
        %run_scoped3A = tpu.sem_alloc : memref<!tpu.dma_semaphore, #tpu.memory_space<semaphore_mem>>
        %dma_start3A_76 = arith.constant 0 : i32
        %dma_start3A_77 = tpu.memref_slice %arg4[%add3A_75, %dma_start3A_76] : memref<20480x128xf32, #tpu.memory_space<hbm>> -> memref<128x128xf32, #tpu.memory_space<hbm>>
        %dma_start3A_78 = arith.constant 0 : i32
        %dma_start3A_79 = tpu.memref_slice %arg4[%add3A_75, %dma_start3A_78] : memref<20480x128xf32, #tpu.memory_space<hbm>> -> memref<128x128xf32, #tpu.memory_space<hbm>>
        tpu.enqueue_dma source(%arg8 : memref<128x128xf32, #tpu.memory_space<vmem>>) target(%dma_start3A_79 : memref<128x128xf32, #tpu.memory_space<hbm>>) target_semaphore(%run_scoped3A : memref<!tpu.dma_semaphore, #tpu.memory_space<semaphore_mem>>)
        %dma_wait3A_80 = arith.constant 0 : i32
        %dma_wait3A_81 = tpu.memref_slice %arg4[%add3A_75, %dma_wait3A_80] : memref<20480x128xf32, #tpu.memory_space<hbm>> -> memref<128x128xf32, #tpu.memory_space<hbm>>
        %dma_wait3A_82 = arith.constant 0 : i32
        %dma_wait3A_83 = tpu.memref_slice %arg4[%add3A_75, %dma_wait3A_82] : memref<20480x128xf32, #tpu.memory_space<hbm>> -> memref<128x128xf32, #tpu.memory_space<hbm>>
        tpu.wait_dma2 semaphore(%run_scoped3A : memref<!tpu.dma_semaphore, #tpu.memory_space<semaphore_mem>>) src(%arg8 : memref<128x128xf32, #tpu.memory_space<vmem>>) dst(%dma_wait3A_83 : memref<128x128xf32, #tpu.memory_space<hbm>>)
        tpu.yield
      }) : () -> ()
    }
    %scan3A_64 = arith.constant 5 : i32
    return
  }
}

module attributes {stable_mosaic.version = 14 : i64} {
  func.func @_norm_body(%arg0: i32, %arg1: memref<2x2560xf32, #tpu.memory_space<vmem>>, %arg2: memref<2560x128xf32, #tpu.memory_space<vmem>>, %arg3: memref<1x2560xf32, #tpu.memory_space<vmem>>, %arg4: memref<2560x128xf32, #tpu.memory_space<vmem>>) attributes {dimension_semantics = [#tpu.dimension_semantics<arbitrary>], iteration_bounds = array<i64: 4>, scalar_prefetch = 0 : i64, scratch_operands = 0 : i64, tpu.core_type = #tpu.core_type<tc>, window_params = [{transform_indices = @transform_0, window_bounds = array<i64: 2, 2560>}, {transform_indices = @transform_1, window_bounds = array<i64: 2560, 128>}, {transform_indices = @transform_2, window_bounds = array<i64: 1, 2560>}, {transform_indices = @transform_3, window_bounds = array<i64: 2560, 128>}]} {
    %get3A = arith.constant 0 : index
    %get3A_0 = arith.constant 0 : index
    %get3A_1 = vector.load %arg1[%get3A, %get3A_0] : memref<2x2560xf32, #tpu.memory_space<vmem>>, vector<1x2560xf32>
    %get3A_2 = arith.constant 1 : index
    %get3A_3 = arith.constant 0 : index
    %get3A_4 = vector.load %arg1[%get3A_2, %get3A_3] : memref<2x2560xf32, #tpu.memory_space<vmem>>, vector<1x2560xf32>
    %add3A = arith.addf %get3A_1, %get3A_4 : vector<1x2560xf32>
    %add3A_5 = arith.constant 1.000000e+00 : f32
    %add3A_6 = vector.broadcast %add3A_5 : f32 to vector<1x2560xf32>
    %add3A_7 = arith.addf %add3A, %add3A_6 : vector<1x2560xf32>
    %rsqrt3A = math.rsqrt %add3A_7 : vector<1x2560xf32>
    %swap3A = arith.constant 0 : index
    %swap3A_8 = arith.constant 0 : index
    %swap3A_9 = vector.load %arg3[%swap3A, %swap3A_8] : memref<1x2560xf32, #tpu.memory_space<vmem>>, vector<1x2560xf32>
    tpu.vector_store %arg3[%swap3A, %swap3A_8], %rsqrt3A {strides = array<i32>} : memref<1x2560xf32, #tpu.memory_space<vmem>>, vector<1x2560xf32>,
    %get3A_10 = arith.constant 0 : index
    %get3A_11 = arith.constant 0 : index
    %get3A_12 = vector.load %arg2[%get3A_10, %get3A_11] : memref<2560x128xf32, #tpu.memory_space<vmem>>, vector<2560x128xf32>
    %transpose3A = tpu.transpose %rsqrt3A, [1, 0] : vector<1x2560xf32> -> vector<2560x1xf32>
    %mul3A = vector.broadcast %transpose3A : vector<2560x1xf32> to vector<2560x128xf32>
    %mul3A_13 = arith.mulf %get3A_12, %mul3A : vector<2560x128xf32>
    %swap3A_14 = arith.constant 0 : index
    %swap3A_15 = arith.constant 0 : index
    %swap3A_16 = vector.load %arg4[%swap3A_14, %swap3A_15] : memref<2560x128xf32, #tpu.memory_space<vmem>>, vector<2560x128xf32>
    tpu.vector_store %arg4[%swap3A_14, %swap3A_15], %mul3A_13 {strides = array<i32>} : memref<2560x128xf32, #tpu.memory_space<vmem>>, vector<2560x128xf32>,
    return
  }
  func.func @transform_0(%arg0: i32) -> (i32, i32) {
    %c0_i32 = arith.constant 0 : i32
    %c0_i32_0 = arith.constant 0 : i32
    return %c0_i32, %arg0 : i32, i32
  }
  func.func @transform_1(%arg0: i32) -> (i32, i32) {
    %c0_i32 = arith.constant 0 : i32
    %c0_i32_0 = arith.constant 0 : i32
    return %arg0, %c0_i32 : i32, i32
  }
  func.func @transform_2(%arg0: i32) -> (i32, i32) {
    %c0_i32 = arith.constant 0 : i32
    %c0_i32_0 = arith.constant 0 : i32
    return %c0_i32, %arg0 : i32, i32
  }
  func.func @transform_3(%arg0: i32) -> (i32, i32) {
    %c0_i32 = arith.constant 0 : i32
    %c0_i32_0 = arith.constant 0 : i32
    return %arg0, %c0_i32 : i32, i32
  }
}

module attributes {stable_mosaic.version = 14 : i64} {
  func.func @_out_body(%arg0: i32, %arg1: memref<2x2560x128xf32, #tpu.memory_space<vmem>>, %arg2: memref<2560x128xf32, #tpu.memory_space<vmem>>, %arg3: memref<1x2560xf32, #tpu.memory_space<vmem>>, %arg4: memref<128x256xf32, #tpu.memory_space<vmem>>, %arg5: memref<1x256xf32, #tpu.memory_space<vmem>>, %arg6: memref<2560x256xf32, #tpu.memory_space<vmem>>) attributes {dimension_semantics = [#tpu.dimension_semantics<arbitrary>], iteration_bounds = array<i64: 4>, scalar_prefetch = 0 : i64, scratch_operands = 0 : i64, tpu.core_type = #tpu.core_type<tc>, window_params = [{transform_indices = @transform_0, window_bounds = array<i64: 2, 2560, 128>}, {transform_indices = @transform_1, window_bounds = array<i64: 2560, 128>}, {transform_indices = @transform_2, window_bounds = array<i64: 1, 2560>}, {pipeline_mode = #tpu.pipeline_mode<synchronous>, transform_indices = @transform_3, window_bounds = array<i64: 128, 256>}, {pipeline_mode = #tpu.pipeline_mode<synchronous>, transform_indices = @transform_4, window_bounds = array<i64: 1, 256>}, {transform_indices = @transform_5, window_bounds = array<i64: 2560, 256>}]} {
    %get3A = arith.constant 0 : index
    %get3A_0 = arith.constant 0 : index
    %get3A_1 = arith.constant 0 : index
    %get3A_2 = vector.load %arg1[%get3A, %get3A_0, %get3A_1] : memref<2x2560x128xf32, #tpu.memory_space<vmem>>, vector<1x2560x128xf32>
    %get3A_3 = vector.shape_cast %get3A_2 : vector<1x2560x128xf32> to vector<2560x128xf32>
    %get3A_4 = arith.constant 1 : index
    %get3A_5 = arith.constant 0 : index
    %get3A_6 = arith.constant 0 : index
    %get3A_7 = vector.load %arg1[%get3A_4, %get3A_5, %get3A_6] : memref<2x2560x128xf32, #tpu.memory_space<vmem>>, vector<1x2560x128xf32>
    %get3A_8 = vector.shape_cast %get3A_7 : vector<1x2560x128xf32> to vector<2560x128xf32>
    %add3A = arith.addf %get3A_3, %get3A_8 : vector<2560x128xf32>
    %get3A_9 = arith.constant 0 : index
    %get3A_10 = arith.constant 0 : index
    %get3A_11 = vector.load %arg2[%get3A_9, %get3A_10] : memref<2560x128xf32, #tpu.memory_space<vmem>>, vector<2560x128xf32>
    %add3A_12 = arith.addf %add3A, %get3A_11 : vector<2560x128xf32>
    %get3A_13 = arith.constant 0 : index
    %get3A_14 = arith.constant 0 : index
    %get3A_15 = vector.load %arg4[%get3A_13, %get3A_14] : memref<128x256xf32, #tpu.memory_space<vmem>>, vector<128x256xf32>
    %dot_general3A = arith.constant dense<0.000000e+00> : vector<2560x256xf32>
    %dot_general3A_16 = tpu.matmul %add3A_12, %get3A_15, %dot_general3A {dimension_numbers = #tpu.dot_dimension_numbers<[1], [0], [0], [1], [0, 0, 1, 1], [], []>, transpose_lhs_hint = false} : vector<2560x128xf32>, vector<128x256xf32>, vector<2560x256xf32> -> vector<2560x256xf32>
    %get3A_17 = arith.constant 0 : index
    %get3A_18 = arith.constant 0 : index
    %get3A_19 = vector.load %arg3[%get3A_17, %get3A_18] : memref<1x2560xf32, #tpu.memory_space<vmem>>, vector<1x2560xf32>
    %transpose3A = tpu.transpose %get3A_19, [1, 0] : vector<1x2560xf32> -> vector<2560x1xf32>
    %mul3A = vector.broadcast %transpose3A : vector<2560x1xf32> to vector<2560x256xf32>
    %mul3A_20 = arith.mulf %dot_general3A_16, %mul3A : vector<2560x256xf32>
    %get3A_21 = arith.constant 0 : index
    %get3A_22 = arith.constant 0 : index
    %get3A_23 = vector.load %arg5[%get3A_21, %get3A_22] : memref<1x256xf32, #tpu.memory_space<vmem>>, vector<1x256xf32>
    %add3A_24 = vector.broadcast %get3A_23 : vector<1x256xf32> to vector<2560x256xf32>
    %add3A_25 = arith.addf %mul3A_20, %add3A_24 : vector<2560x256xf32>
    %max3A = arith.constant 0.000000e+00 : f32
    %max3A_26 = vector.broadcast %max3A : f32 to vector<2560x256xf32>
    %max3A_27 = arith.maximumf %add3A_25, %max3A_26 : vector<2560x256xf32>
    %swap3A = arith.constant 0 : index
    %swap3A_28 = arith.constant 0 : index
    %swap3A_29 = vector.load %arg6[%swap3A, %swap3A_28] : memref<2560x256xf32, #tpu.memory_space<vmem>>, vector<2560x256xf32>
    tpu.vector_store %arg6[%swap3A, %swap3A_28], %max3A_27 {strides = array<i32>} : memref<2560x256xf32, #tpu.memory_space<vmem>>, vector<2560x256xf32>,
    return
  }
  func.func @transform_0(%arg0: i32) -> (i32, i32, i32) {
    %c0_i32 = arith.constant 0 : i32
    %c0_i32_0 = arith.constant 0 : i32
    %c0_i32_1 = arith.constant 0 : i32
    return %c0_i32, %arg0, %c0_i32_0 : i32, i32, i32
  }
  func.func @transform_1(%arg0: i32) -> (i32, i32) {
    %c0_i32 = arith.constant 0 : i32
    %c0_i32_0 = arith.constant 0 : i32
    return %arg0, %c0_i32 : i32, i32
  }
  func.func @transform_2(%arg0: i32) -> (i32, i32) {
    %c0_i32 = arith.constant 0 : i32
    %c0_i32_0 = arith.constant 0 : i32
    return %c0_i32, %arg0 : i32, i32
  }
  func.func @transform_3(%arg0: i32) -> (i32, i32) {
    %c0_i32 = arith.constant 0 : i32
    %c0_i32_0 = arith.constant 0 : i32
    %c0_i32_1 = arith.constant 0 : i32
    return %c0_i32, %c0_i32_0 : i32, i32
  }
  func.func @transform_4(%arg0: i32) -> (i32, i32) {
    %c0_i32 = arith.constant 0 : i32
    %c0_i32_0 = arith.constant 0 : i32
    %c0_i32_1 = arith.constant 0 : i32
    return %c0_i32, %c0_i32_0 : i32, i32
  }
  func.func @transform_5(%arg0: i32) -> (i32, i32) {
    %c0_i32 = arith.constant 0 : i32
    %c0_i32_0 = arith.constant 0 : i32
    return %arg0, %c0_i32 : i32, i32
  }
}

</mosaic_0001>

<sc_bundles>
// kernel: kernel.6.cloned.1.call-start
scs
__scs_entry_jumppad:
0x0: {  	(pc) =	sbr.rel $0x88, $3  }
0x1: {  	(tag) =	ssettag $0x0;
	lr =	simm.s32 $0x1  }
0x2: {  	[smem:$0x3F9D] =	sst lr;
	_ =	strace $0xD0000000  }
0x3: {  	_ = 	snop  }
0x4: {  	_ = 	snop  }
0x5: {  	_ = 	snop  }
0x6: {  	_ = 	snop  }
0x7: {  	_ = 	snop  }
__scs_overlays_trampoline_lowered:
0x8: {  	[smem:$0x3FAC] =	sst s0  }
0x9: {  	[smem:$0x3FAD] =	sst s1  }
0xa: {  	[smem:$0x3FAE] =	sst s2  }
0xb: {  	[smem:$0x3FAF] =	sst s3  }
0xc: {  	[smem:$0x3FB0] =	sst s4  }
0xd: {  	[smem:$0x3FB1] =	sst s5  }
0xe: {  	[smem:$0x3FB2] =	sst s6  }
0xf: {  	[smem:$0x3FB3] =	sst s7  }
0x10: {  	[smem:$0x3FB4] =	sst s8  }
0x11: {  	[smem:$0x3FB5] =	sst s9;
	s0 =	simm.s32 @!p0 $0x0  }
0x12: {  	s1 =	sld [smem:$0x3F9B];
	s0 =	simm.s32 @p0 $0x1  }
0x13: {  	[smem:$0x3FB6] =	sst s0;
	s0 =	simm.s32 @!p1 $0x0  }
0x14: {  	s2 =	sld [smem:$0x3F9A];
	s0 =	simm.s32 @p1 $0x1  }
0x15: {  	[smem:$0x3FB7] =	sst s0;
	s0 =	simm.s32 @!p2 $0x0  }
0x16: {  	s3 =	sld [smem:$0x3FDB];
	s0 =	simm.s32 @p2 $0x1  }
0x17: {  	s4 =	simm.s32 $0x1BF5;
	[smem:$0x3FB9] =	sst s0  }
0x18: {  	s0 =	sld [smem:$0x3F9C];
	_ =	swait.ge [sflag:s4], $0x0  }
0x19: {  	s7 =	sld [smem:$0x3F9D]  }
0x1a: {  	s8 =	sadd.s32 $0xFFFFE003, lr  }
0x1b: {  	s9 =	sadd.s32 $0xFFFFFEF7, lr;
	s5 =	simm.s32 $0xFFFFFFFF;
	p2 =	slt.u32 s8, $0xFFFFF086  }
0x1c: {  	p1 =	slt.u32 s9, $0xF7A;
	s5 =	simm.s32 @!p2 $0x0  }
0x1d: {  	s5 =	simm.s32 @p1 $0x1;
	p0 =	seq.s32 s7, s2  }
0x1e: {  	s7 =	smul.u32 @!p0 $0xF7A, s2;
	p2 =	seq.s32 @!p0 s5, $0x0  }
0x1f: {  	s9 =	smul.u32 $0xF7A, s1;
	s8 =	simm.s32 @!p0 $0x1BF5;
	p2 =	por !p2, p0  }
0x20: {  	[sflag:s8] =	ssyncset.s32 @!p0 $0xFFFFF086;
	s6 =	sadd.s32 @!p0 s3, s7;
	s7 =	simm.s32 @!p0 $0x108  }
0x21: {  	s3 =	sadd.s32 s3, s9;
	s6 =	sadd.s32 @!p0 $0x88, s6;
	s7 =	simm.s32 @p2 $0x1082  }
0x22: {  	[simem:s7], [sflag:s8] =	dma.local @!p0 [hbm:s6], $0xF7A  }
0x23: {  	s9 =	sor.u32 $0xD0000000, s2;
	s6 =	simm.s32 $0x108;
	_ =	swait.ge @!p0 [sflag:s8], $0x0  }
0x24: {  	s3 =	sadd.s32 $0x88, s3;
	s6 =	simm.s32 @!p1 $0x1082;
	[sflag:s4] =	ssyncset.s32 $0xFFFFF086  }
0x25: {  	[simem:s6], [sflag:s4] =	dma.local [hbm:s3], $0xF7A  }
0x26: {  	[smem:$0x3F9D] =	sst s1;
	(tag) =	ssettag s2;
	_ =	strace s9  }
0x27: {  	s1 =	sld [smem:$0x3FAD]  }
0x28: {  	s2 =	sld [smem:$0x3FAE]  }
0x29: {  	s4 =	sld [smem:$0x3FB0]  }
0x2a: {  	p0 =	seq.s32 s5, $0x0;
	s5 =	sld [smem:$0x3FB1]  }
0x2b: {  	s6 =	sld [smem:$0x3FB2]  }
0x2c: {  	s7 =	sld [smem:$0x3FB3]  }
0x2d: {  	s3 =	simm.s32 $0x108;
	s8 =	sld [smem:$0x3FB4]  }
0x2e: {  	s3 =	simm.s32 @!p0 $0x1082;
	s9 =	sld [smem:$0x3FB5]  }
0x2f: {  	lr =	sadd.s32 s0, s3;
	s0 =	sld [smem:$0x3FAC]  }
0x30: {  	s3 =	sld [smem:$0x3FAF]  }
0x31: {  	[smem:$0x3FB8] =	sst s10  }
0x32: {  	s10 =	sld [smem:$0x3FB6];
	_ =	sdelay $0x3  }
0x33: {  	p0 =	seq.s32 s10, $0x1;
	s10 =	sld [smem:$0x3FB8];
	_ =	sdelay $0x3  }
0x34: {  	[smem:$0x3FB8] =	sst s10  }
0x35: {  	s10 =	sld [smem:$0x3FB7];
	_ =	sdelay $0x3  }
0x36: {  	p1 =	seq.s32 s10, $0x1;
	s10 =	sld [smem:$0x3FB8];
	_ =	sdelay $0x3  }
0x37: {  	[smem:$0x3FB8] =	sst s10  }
0x38: {  	s10 =	sld [smem:$0x3FB9]  }
0x39: {  	_ = 	snop;
	(pc) =	sbr.ind lr, $3  }
0x3a: {  	_ = 	snop  }
0x3b: {  	_ = 	snop  }
0x3c: {  	p2 =	seq.s32 s10, $0x1;
	s10 =	sld [smem:$0x3FB8]  }
0x3d: {  	_ =	shalt  }
0x3e: {  	_ =	shalt  }
0x3f: {  	_ =	shalt  }
0x40: {  	_ =	shalt  }
0x41: {  	_ =	shalt  }
0x42: {  	_ =	shalt  }
0x43: {  	_ =	shalt  }
0x44: {  	_ =	shalt  }
0x45: {  	_ =	shalt  }
0x46: {  	_ =	shalt  }
0x47: {  	_ =	shalt  }
0x48: {  	_ =	shalt  }
0x49: {  	_ =	shalt  }
0x4a: {  	_ =	shalt  }
0x4b: {  	_ =	shalt  }
0x4c: {  	_ =	shalt  }
0x4d: {  	_ =	shalt  }
0x4e: {  	_ =	shalt  }
0x4f: {  	_ =	shalt  }
0x50: {  	_ =	shalt  }
0x51: {  	_ =	shalt  }
0x52: {  	_ =	shalt  }
0x53: {  	_ =	shalt  }
0x54: {  	_ =	shalt  }
0x55: {  	_ =	shalt  }
0x56: {  	_ =	shalt  }
0x57: {  	_ =	shalt  }
0x58: {  	_ =	shalt  }
0x59: {  	_ =	shalt  }
0x5a: {  	_ =	shalt  }
0x5b: {  	_ =	shalt  }
0x5c: {  	_ =	shalt  }
0x5d: {  	_ =	shalt  }
0x5e: {  	_ =	shalt  }
0x5f: {  	_ =	shalt  }
0x60: {  	_ =	shalt  }
0x61: {  	_ =	shalt  }
0x62: {  	_ =	shalt  }
0x63: {  	_ =	shalt  }
0x64: {  	_ =	shalt  }
0x65: {  	_ =	shalt  }
0x66: {  	_ =	shalt  }
0x67: {  	_ =	shalt  }
0x68: {  	_ =	shalt  }
0x69: {  	_ =	shalt  }
0x6a: {  	_ =	shalt  }
0x6b: {  	_ =	shalt  }
0x6c: {  	_ =	shalt  }
0x6d: {  	_ =	shalt  }
0x6e: {  	_ =	shalt  }
0x6f: {  	_ =	shalt  }
0x70: {  	_ =	shalt  }
0x71: {  	_ =	shalt  }
0x72: {  	_ =	shalt  }
0x73: {  	_ =	shalt  }
0x74: {  	_ =	shalt  }
0x75: {  	_ =	shalt  }
0x76: {  	_ =	shalt  }
0x77: {  	_ =	shalt  }
0x78: {  	_ =	shalt  }
0x79: {  	_ =	shalt  }
0x7a: {  	_ =	shalt  }
0x7b: {  	_ =	shalt  }
0x7c: {  	_ =	shalt  }
0x7d: {  	_ =	shalt  }
0x7e: {  	_ =	shalt  }
0x7f: {  	_ =	shalt  }
0x80: {  	_ =	shalt  }
0x81: {  	_ =	shalt  }
0x82: {  	_ =	shalt  }
0x83: {  	_ =	shalt  }
0x84: {  	_ =	shalt  }
0x85: {  	_ =	shalt  }
0x86: {  	_ =	shalt  }
0x87: {  	_ =	shalt  }
.Lfunc_end0:
.L_simem_size_0:
called_computation_lowered:
.L_overlay_start_0:
0x88: {  	s2 =	sld [smem:$0x3FD9]  }
0x89: {  	s3 =	sld [smem:$0x3FFE];
	_ =	sdelay $0x1  }
0x8a: {  	s1 =	srdreg.scid  }
0x8b: {  	s0 =	sand.u32 $0x1, s1  }
0x8c: {  	s17 =	sshll.u32 s0, $0xA;
	s2 =	sadd.s32 s3, s2  }
0x8d: {  	s2 =	sadd.s32 s2, s17  }
0x8e: {  	[smem:$0x3FC4] =	sst s2  }
0x8f: {  	_ = 	snop  }
0x90: {  	s2 =	sld [smem:$0x3FD0];
	(tm) =	ssettm $0x1  }
0x91: {  	s18 =	sld [smem:$0x3FFB];
	_ =	sdelay $0x3  }
0x92: {  	_ =	strace s18  }
0x93: {  	s3 =	sld [smem:$0x3FFC];
	_ =	sdelay $0x3  }
0x94: {  	_ =	strace s3  }
0x95: {  	s3 =	sld [smem:$0x3FFD];
	_ =	sdelay $0x3  }
0x96: {  	_ =	strace s3  }
0x97: {  	_ =	strace $0x8FFFFFFF  }
0x98: {  	s19 =	sld [smem:$0x3FDB];
	_ =	sdelay $0x1  }
0x99: {  	s4 =	simm.s32 $_scs_section_size  }
0x9a: {  	s5 =	simm.s32 $_size__tile_overlayer_lowered;
	s6 =	simm.s32 $_tile_overlayer_lowered  }
0x9b: {  	s22 =	simm.s32 $0x1BFF;
	s21 =	sshll.u32 s6, $0x1;
	s3 =	sadd.s32 s4, s19  }
0x9c: {  	s7 =	simm.s32 $0x0;
	s20 =	sshll.u32 s5, $0x1;
	s5 =	sadd.s32 s21, s3  }
0x9d: {  	[timem:s7], [sflag:s22] =	dma.local [hbm:s5], s20  }
0x9e: {  	_ =	swait.ge [sflag:s22], s20  }
0x9f: {  	s4 =	ssub.s32 $0x0, s20;
	[sflag:s22] =	ssyncset.done $0x0  }
0xa0: {  	[sflag:s22] =	ssyncadd.s32 s4;
	_ =	sdelay $0x1  }
0xa1: {  	s23 =	simm.s32 $0x1B8B  }
0xa2: {  	_ =	swait.ge [sflag:s23], $0x1  }
0xa3: {  	[sflag:s23] =	ssyncset.done $0x0  }
0xa4: {  	s25 =	simm.s32 $0x1B8E;
	s24 =	sld [smem:$0x3FFE];
	[sflag:s23] =	ssyncadd.s32 $0xFFFFFFFF  }
0xa5: {  	s26 =	simm.s32 $execute0_lowered;
	[smem:$0x3FD2] =	sst s25  }
0xa6: {  	s5 =	sshll.u32 s26, $0x1;
	_ =	strace $0x80000046;
	[dreg:$0x1] =	wrdreg $0xFFFFFFFF  }
0xa7: {  	s28 =	simm.s32 $_size_execute0_lowered;
	s3 =	sadd.s32 s3, s5;
	[dreg:$0x0] =	wrdreg $0x0  }
0xa8: {  	s5 =	sshll.u32 s28, $0x1;
	[dreg:$0x2] =	wrdreg s3  }
0xa9: {  	[dreg:$0x3] =	wrdreg s5  }
0xaa: {  	[dreg:$0x4] =	wrdreg $0xC0  }
0xab: {  	_ =	task [dreg:s7], $0x5FFFF  }
0xac: {  	[dreg:$0x1] =	wrdreg $0xFFFFFFFF  }
0xad: {  	[dreg:$0x0] =	wrdreg $0x60  }
0xae: {  	[dreg:$0x2] =	wrdreg s2  }
0xaf: {  	[dreg:$0x3] =	wrdreg s24  }
0xb0: {  	[dreg:$0x4] =	wrdreg $0x2B000  }
0xb1: {  	[dreg:$0x5] =	wrdreg $0x9  }
0xb2: {  	_ =	task.clear_ibuf [dreg:s7], $0x6FFFF;
	_ =	strace $0x90000046  }
0xb3: {  	s29 =	simm.s32 $0x9;
	_ =	strace $0x80000048  }
0xb4: {  	_ =	swait.ge [sflag:s29], $0x1  }
0xb5: {  	[sflag:s29] =	ssyncadd.s32 $0xFFFFFFFF  }
0xb6: {  	_ =	strace $0x90000048  }
0xb7: {  	_ =	sfence  }
0xb8: {  	s30 =	sld [smem:$0x0];
	_ =	sdelay $0x2  }
0xb9: {  	s31 =	sshll.u32 s1, $0xD;
	s1 =	sshrl.u32 s1, $0x2  }
0xba: {  	s3 =	sand.u32 $0x4000, s31;
	s1 =	sadd.s32 s1, s30  }
0xbb: {  	s0 =	sor.u32 s3, s0;
	s1 =	sshll.u32 s1, $0x11  }
0xbc: {  	s0 =	sor.u32 s1, s0  }
0xbd: {  	s0 =	sadd.s32 $0x8F2B, s0  }
0xbe: {  	[sflag:s0] =	ssyncadd.remote.s32 $0x1  }
0xbf: {  	_ =	sfence.sel $0xFFFF  }
0xc0: {  	[dreg:$0x0] =	wrdreg $0xFFFFFFFF;
	(pc) =	sbr.abs _section_cstart, $3  }
0xc1: {  	[dreg:$0x1] =	wrdreg $0xFFFFFFFF  }
0xc2: {  	_ =	task.clear_ibuf [dreg:s7], $0x2FFFF;
	_ =	strace $0x9FFFFFFF  }
0xc3: {  	(tm) =	ssettm $0x7FFFFFFF  }
tec
execute0_lowered:
.L_overlay_start_1:
0x0: {  	(tag) =	ssettag $0x1  }
0x1: {  	s5 =	rddreg [dreg:$0x0]  }
0x2: {  	s6 =	rddreg [dreg:$0x1]  }
0x3: {  	s0 =	srdreg.scid;
	s2 =	rddreg [dreg:$0x2];
	s3 =	simm.s32 $0x0  }
0x4: {  	s11 =	simm.s32 $0x2800;
	s12 =	simm.s32 $0x0;
	s4 =	sand.u32 $0x1, s0  }
0x5: {  	s0 =	stileid.u32;
	[smem:$0x7FF] =	sst s3;
	s1 =	sshll.u32 s4, $0x4  }
0x6: {  	s4 =	ssub.s32 $0x2, s4;
	s9 =	smul.u32 $0xA00, s0;
	s7 =	sor.u32 s0, s1  }
0x7: {  	s1 =	rddreg [dreg:$0x3];
	s10 =	sshrl.u32 s4, $0x1;
	s8 =	smul.u32 $0x50, s7  }
0x8: {  	_ =	strace $0x80000047;
	s7 =	smul.u32 $0x500, s7;
	s30 =	ssub.s32 s4, s10  }
0x9: {  	s31 =	sshrl.u32 s9, $0x2;
	s9 =	simm.s32 $0x1;
	s10 =	simm.s32 $0x80  }
0xa: {  	s4 =	sadd.s32 s31, s2;
	s6 =	sadd.s32 s8, s6;
	s5 =	sadd.s32 s5, s7  }
0xb: {  	v0 =	vimm.f32 $1.000000000e+00;
	v1 =	vimm.f32 $0.0e+00;
	s7 =	smax.u32 s30, $0x1;
	s8 =	simm.s32 $0x2880;
	s6 =	sadd.s32 $0x1E00, s6  }
.LBB2_1:
0xc: {  	[tilespmem:$0x2800] =	vst v0  }
0xd: {  	[tilespmem:$0x2810] =	vst v0  }
0xe: {  	[tilespmem:$0x2820] =	vst v0  }
0xf: {  	[tilespmem:$0x2830] =	vst v0  }
0x10: {  	[tilespmem:$0x2840] =	vst v0  }
0x11: {  	[tilespmem:$0x2850] =	vst v0  }
0x12: {  	[tilespmem:$0x2860] =	vst v0  }
0x13: {  	[tilespmem:$0x2870] =	vst v0  }
0x14: {  	[tilespmem:$0x2880] =	vst v1  }
0x15: {  	[tilespmem:$0x2890] =	vst v1  }
0x16: {  	[tilespmem:$0x28A0] =	vst v1  }
0x17: {  	[tilespmem:$0x28B0] =	vst v1  }
0x18: {  	[tilespmem:$0x28C0] =	vst v1  }
0x19: {  	[tilespmem:$0x28D0] =	vst v1  }
0x1a: {  	[tilespmem:$0x28E0] =	vst v1  }
0x1b: {  	[tilespmem:$0x28F0] =	vst v1  }
0x1c: {  	[tilespmem:$0x2900] =	vst v1  }
0x1d: {  	[tilespmem:$0x2910] =	vst v1  }
0x1e: {  	[tilespmem:$0x2920] =	vst v1  }
0x1f: {  	[tilespmem:$0x2930] =	vst v1  }
0x20: {  	[tilespmem:$0x2940] =	vst v1  }
0x21: {  	[tilespmem:$0x2950] =	vst v1  }
0x22: {  	[tilespmem:$0x2960] =	vst v1  }
0x23: {  	[tilespmem:$0x2970] =	vst v1  }
0x24: {  	[tilespmem:$0x2980] =	vst v1  }
0x25: {  	[tilespmem:$0x2990] =	vst v1  }
0x26: {  	[tilespmem:$0x29A0] =	vst v1  }
0x27: {  	[tilespmem:$0x29B0] =	vst v1  }
0x28: {  	[tilespmem:$0x29C0] =	vst v1  }
0x29: {  	[tilespmem:$0x29D0] =	vst v1  }
0x2a: {  	[tilespmem:$0x29E0] =	vst v1  }
0x2b: {  	[tilespmem:$0x29F0] =	vst v1  }
0x2c: {  	[tilespmem:$0x2A00] =	vst v1  }
0x2d: {  	[tilespmem:$0x2A10] =	vst v1  }
0x2e: {  	[tilespmem:$0x2A20] =	vst v1  }
0x2f: {  	[tilespmem:$0x2A30] =	vst v1  }
0x30: {  	[tilespmem:$0x2A40] =	vst v1  }
0x31: {  	[tilespmem:$0x2A50] =	vst v1  }
0x32: {  	[tilespmem:$0x2A60] =	vst v1  }
0x33: {  	[tilespmem:$0x2A70] =	vst v1  }
0x34: {  	[tilespmem:$0x2A80] =	vst v1  }
0x35: {  	[tilespmem:$0x2A90] =	vst v1  }
0x36: {  	[tilespmem:$0x2AA0] =	vst v1  }
0x37: {  	[tilespmem:$0x2AB0] =	vst v1  }
0x38: {  	[tilespmem:$0x2AC0] =	vst v1  }
0x39: {  	[tilespmem:$0x2AD0] =	vst v1  }
0x3a: {  	[tilespmem:$0x2AE0] =	vst v1  }
0x3b: {  	[tilespmem:$0x2AF0] =	vst v1  }
0x3c: {  	[spmem:s4] =	stream.linear.scatter [tilespmem:s8], [sflag:$0x1], $0x280, $0x38;
	[tilespmem:$0x2D80] =	vst v63  }
0x3d: {  	_ =	swait.ge [sflag:s9], $0x280  }
0x3e: {  	[sflag:s9] =	ssyncset.done $0x0  }
0x3f: {  	[sflag:s9] =	ssyncadd.s32 $0xFFFFFD80  }
0x40: {  	[tilespmem:s3], [sflag:$0x1] =	stream.linear.gather [hbm4b:s5+s3], $0x2800, $0x38;
	[tilespmem:$0x2D80] =	vst v63  }
0x41: {  	_ =	swait.ge [sflag:s9], $0x2800  }
0x42: {  	[sflag:s9] =	ssyncset.done $0x0  }
0x43: {  	[sflag:s9] =	ssyncadd.s32 $0xFFFFD800  }
0x44: {  	s13 =	simm.s32 $0x0;
	[bflag:$0x0] =	sbarrier.arrive $0xFFFF  }
0x45: {  	[spmem:s2] =	stream.indirect.scatter.add.f32 [tilespmem:s11], [sflag:$0x1], $0x1, s13, s10, $0xb8;
	[tilespmem:$0x2D80] =	vst v63  }
0x46: {  	_ =	swait.ge [sflag:s9], $0x80  }
0x47: {  	s13 =	simm.s32 $0x200;
	[sflag:s9] =	ssyncset.done $0x0  }
.LBB2_2:
0x48: {  	s14 =	sshra.s32 s13, $0x2;
	[sflag:s9] =	ssyncadd.s32 $0xFFFFFF80;
	p0 =	sne.s32 s13, $0x9E00  }
0x49: {  	[spmem:s2] =	stream.indirect.scatter.add.f32 [tilespmem:s11], [sflag:$0x1], $0x1, s14, s10, $0xb8;
	[tilespmem:$0x2D80] =	vst v63  }
.Ltmp0:
0x4a: {  	_ = 	snop;
	(pc) =	sbr.rel @p0 .LBB2_2-.Ltmp0, $4  }
0x4b: {  	_ = 	snop  }
0x4c: {  	s13 =	sadd.s32 $0x200, s13  }
0x4d: {  	_ =	swait.ge [sflag:s9], $0x80  }
0x4e: {  	[sflag:s9] =	ssyncset.done $0x0  }
0x4f: {  	[sflag:s9] =	ssyncadd.s32 $0xFFFFFF80  }
0x50: {  	[bflag:$0x0] =	sbarrier.arrive $0xFFFF  }
0x51: {  	[tilespmem:s8], [sflag:$0x1] =	stream.linear.gather [spmem:s4], $0x280, $0x38;
	[tilespmem:$0x2D80] =	vst v63  }
0x52: {  	s12 =	sadd.s32 $0x1, s12;
	_ =	swait.ge [sflag:s9], $0x280  }
0x53: {  	p0 =	sne.s32 s12, s7;
	[sflag:s9] =	ssyncset.done $0x0  }
.Ltmp1:
0x54: {  	[sflag:s9] =	ssyncadd.s32 $0xFFFFFD80;
	(pc) =	sbr.rel @p0 .LBB2_1-.Ltmp1, $4  }
0x55: {  	[hbm4b:s6+s3] =	stream.linear.scatter [tilespmem:s8], [sflag:$0x1], $0x280, $0x38;
	[tilespmem:$0x2D80] =	vst v63  }
0x56: {  	_ =	swait.ge [sflag:s9], $0x280  }
0x57: {  	[sflag:s9] =	ssyncset.done $0x0  }
0x58: {  	[sflag:s9] =	ssyncadd.s32 $0xFFFFFD80  }
0x59: {  	_ =	sfence.sel $0x180000  }
0x5a: {  	[bflag:$0x0] =	sbarrier.arrive $0xFFFF  }
0x5b: {  	p0 =	sne.s32 s0, $0x0;
	_ =	strace $0x90000047  }
0x5c: {  	s0 =	sadd.s32 @!p0 $0x100000, s1;
	[bflag:$0x2] =	sbarrier.arrive $0xFFFF  }
0x5d: {  	[sflag:s0] =	ssyncadd.tile.s32 @!p0 $0x1;
	_ =	shalt  }
.Lfunc_end2:
_tile_overlayer_lowered:
.L_overlay_start_2:
0x5e: {  	(tag) =	ssettag $0x2  }
0x5f: {  	s0 =	rddreg [dreg:$0x0];
	s2 =	stileid.u32  }
0x60: {  	s1 =	rddreg [dreg:$0x1];
	p0 =	sne.s32 s2, $0x0  }
0x61: {  	s3 =	rddreg [dreg:$0x2];
	[bflag:$0x3] =	sbarrier.arrive $0xFFFF;
	s2 =	simm.s32 @!p0 $0x1C01  }
0x62: {  	[timem:s3], [sflag:s2] =	dma.local @!p0 [hbm:s0], s1  }
0x63: {  	s0 =	simm.s32 @!p0 $0x1  }
0x64: {  	_ =	swait.ge @!p0 [sflag:s0], s1  }
0x65: {  	s1 =	ssub.s32 @!p0 $0x0, s1;
	[sflag:s0] =	ssyncset.done @!p0 $0x0  }
0x66: {  	[sflag:s0] =	ssyncadd.s32 @!p0 s1  }
0x67: {  	[bflag:$0x3] =	sbarrier.arrive $0xFFFF  }
0x68: {  	_ =	shalt  }

// kernel: kernel.9.cloned.1.call-start
scs
__scs_entry_jumppad:
0x0: {  	(pc) =	sbr.rel $0x88, $3  }
0x1: {  	(tag) =	ssettag $0x0;
	lr =	simm.s32 $0x1  }
0x2: {  	[smem:$0x3F9D] =	sst lr;
	_ =	strace $0xD0000000  }
0x3: {  	_ = 	snop  }
0x4: {  	_ = 	snop  }
0x5: {  	_ = 	snop  }
0x6: {  	_ = 	snop  }
0x7: {  	_ = 	snop  }
__scs_overlays_trampoline_lowered:
0x8: {  	[smem:$0x3FAC] =	sst s0  }
0x9: {  	[smem:$0x3FAD] =	sst s1  }
0xa: {  	[smem:$0x3FAE] =	sst s2  }
0xb: {  	[smem:$0x3FAF] =	sst s3  }
0xc: {  	[smem:$0x3FB0] =	sst s4  }
0xd: {  	[smem:$0x3FB1] =	sst s5  }
0xe: {  	[smem:$0x3FB2] =	sst s6  }
0xf: {  	[smem:$0x3FB3] =	sst s7  }
0x10: {  	[smem:$0x3FB4] =	sst s8  }
0x11: {  	[smem:$0x3FB5] =	sst s9;
	s0 =	simm.s32 @!p0 $0x0  }
0x12: {  	s1 =	sld [smem:$0x3F9B];
	s0 =	simm.s32 @p0 $0x1  }
0x13: {  	[smem:$0x3FB6] =	sst s0;
	s0 =	simm.s32 @!p1 $0x0  }
0x14: {  	s2 =	sld [smem:$0x3F9A];
	s0 =	simm.s32 @p1 $0x1  }
0x15: {  	[smem:$0x3FB7] =	sst s0;
	s0 =	simm.s32 @!p2 $0x0  }
0x16: {  	s3 =	sld [smem:$0x3FDB];
	s0 =	simm.s32 @p2 $0x1  }
0x17: {  	s4 =	simm.s32 $0x1BF5;
	[smem:$0x3FB9] =	sst s0  }
0x18: {  	s0 =	sld [smem:$0x3F9C];
	_ =	swait.ge [sflag:s4], $0x0  }
0x19: {  	s7 =	sld [smem:$0x3F9D]  }
0x1a: {  	s8 =	sadd.s32 $0xFFFFE003, lr  }
0x1b: {  	s9 =	sadd.s32 $0xFFFFFEF7, lr;
	s5 =	simm.s32 $0xFFFFFFFF;
	p2 =	slt.u32 s8, $0xFFFFF086  }
0x1c: {  	p1 =	slt.u32 s9, $0xF7A;
	s5 =	simm.s32 @!p2 $0x0  }
0x1d: {  	s5 =	simm.s32 @p1 $0x1;
	p0 =	seq.s32 s7, s2  }
0x1e: {  	s7 =	smul.u32 @!p0 $0xF7A, s2;
	p2 =	seq.s32 @!p0 s5, $0x0  }
0x1f: {  	s9 =	smul.u32 $0xF7A, s1;
	s8 =	simm.s32 @!p0 $0x1BF5;
	p2 =	por !p2, p0  }
0x20: {  	[sflag:s8] =	ssyncset.s32 @!p0 $0xFFFFF086;
	s6 =	sadd.s32 @!p0 s3, s7;
	s7 =	simm.s32 @!p0 $0x108  }
0x21: {  	s3 =	sadd.s32 s3, s9;
	s6 =	sadd.s32 @!p0 $0x88, s6;
	s7 =	simm.s32 @p2 $0x1082  }
0x22: {  	[simem:s7], [sflag:s8] =	dma.local @!p0 [hbm:s6], $0xF7A  }
0x23: {  	s9 =	sor.u32 $0xD0000000, s2;
	s6 =	simm.s32 $0x108;
	_ =	swait.ge @!p0 [sflag:s8], $0x0  }
0x24: {  	s3 =	sadd.s32 $0x88, s3;
	s6 =	simm.s32 @!p1 $0x1082;
	[sflag:s4] =	ssyncset.s32 $0xFFFFF086  }
0x25: {  	[simem:s6], [sflag:s4] =	dma.local [hbm:s3], $0xF7A  }
0x26: {  	[smem:$0x3F9D] =	sst s1;
	(tag) =	ssettag s2;
	_ =	strace s9  }
0x27: {  	s1 =	sld [smem:$0x3FAD]  }
0x28: {  	s2 =	sld [smem:$0x3FAE]  }
0x29: {  	s4 =	sld [smem:$0x3FB0]  }
0x2a: {  	p0 =	seq.s32 s5, $0x0;
	s5 =	sld [smem:$0x3FB1]  }
0x2b: {  	s6 =	sld [smem:$0x3FB2]  }
0x2c: {  	s7 =	sld [smem:$0x3FB3]  }
0x2d: {  	s3 =	simm.s32 $0x108;
	s8 =	sld [smem:$0x3FB4]  }
0x2e: {  	s3 =	simm.s32 @!p0 $0x1082;
	s9 =	sld [smem:$0x3FB5]  }
0x2f: {  	lr =	sadd.s32 s0, s3;
	s0 =	sld [smem:$0x3FAC]  }
0x30: {  	s3 =	sld [smem:$0x3FAF]  }
0x31: {  	[smem:$0x3FB8] =	sst s10  }
0x32: {  	s10 =	sld [smem:$0x3FB6];
	_ =	sdelay $0x3  }
0x33: {  	p0 =	seq.s32 s10, $0x1;
	s10 =	sld [smem:$0x3FB8];
	_ =	sdelay $0x3  }
0x34: {  	[smem:$0x3FB8] =	sst s10  }
0x35: {  	s10 =	sld [smem:$0x3FB7];
	_ =	sdelay $0x3  }
0x36: {  	p1 =	seq.s32 s10, $0x1;
	s10 =	sld [smem:$0x3FB8];
	_ =	sdelay $0x3  }
0x37: {  	[smem:$0x3FB8] =	sst s10  }
0x38: {  	s10 =	sld [smem:$0x3FB9]  }
0x39: {  	_ = 	snop;
	(pc) =	sbr.ind lr, $3  }
0x3a: {  	_ = 	snop  }
0x3b: {  	_ = 	snop  }
0x3c: {  	p2 =	seq.s32 s10, $0x1;
	s10 =	sld [smem:$0x3FB8]  }
0x3d: {  	_ =	shalt  }
0x3e: {  	_ =	shalt  }
0x3f: {  	_ =	shalt  }
0x40: {  	_ =	shalt  }
0x41: {  	_ =	shalt  }
0x42: {  	_ =	shalt  }
0x43: {  	_ =	shalt  }
0x44: {  	_ =	shalt  }
0x45: {  	_ =	shalt  }
0x46: {  	_ =	shalt  }
0x47: {  	_ =	shalt  }
0x48: {  	_ =	shalt  }
0x49: {  	_ =	shalt  }
0x4a: {  	_ =	shalt  }
0x4b: {  	_ =	shalt  }
0x4c: {  	_ =	shalt  }
0x4d: {  	_ =	shalt  }
0x4e: {  	_ =	shalt  }
0x4f: {  	_ =	shalt  }
0x50: {  	_ =	shalt  }
0x51: {  	_ =	shalt  }
0x52: {  	_ =	shalt  }
0x53: {  	_ =	shalt  }
0x54: {  	_ =	shalt  }
0x55: {  	_ =	shalt  }
0x56: {  	_ =	shalt  }
0x57: {  	_ =	shalt  }
0x58: {  	_ =	shalt  }
0x59: {  	_ =	shalt  }
0x5a: {  	_ =	shalt  }
0x5b: {  	_ =	shalt  }
0x5c: {  	_ =	shalt  }
0x5d: {  	_ =	shalt  }
0x5e: {  	_ =	shalt  }
0x5f: {  	_ =	shalt  }
0x60: {  	_ =	shalt  }
0x61: {  	_ =	shalt  }
0x62: {  	_ =	shalt  }
0x63: {  	_ =	shalt  }
0x64: {  	_ =	shalt  }
0x65: {  	_ =	shalt  }
0x66: {  	_ =	shalt  }
0x67: {  	_ =	shalt  }
0x68: {  	_ =	shalt  }
0x69: {  	_ =	shalt  }
0x6a: {  	_ =	shalt  }
0x6b: {  	_ =	shalt  }
0x6c: {  	_ =	shalt  }
0x6d: {  	_ =	shalt  }
0x6e: {  	_ =	shalt  }
0x6f: {  	_ =	shalt  }
0x70: {  	_ =	shalt  }
0x71: {  	_ =	shalt  }
0x72: {  	_ =	shalt  }
0x73: {  	_ =	shalt  }
0x74: {  	_ =	shalt  }
0x75: {  	_ =	shalt  }
0x76: {  	_ =	shalt  }
0x77: {  	_ =	shalt  }
0x78: {  	_ =	shalt  }
0x79: {  	_ =	shalt  }
0x7a: {  	_ =	shalt  }
0x7b: {  	_ =	shalt  }
0x7c: {  	_ =	shalt  }
0x7d: {  	_ =	shalt  }
0x7e: {  	_ =	shalt  }
0x7f: {  	_ =	shalt  }
0x80: {  	_ =	shalt  }
0x81: {  	_ =	shalt  }
0x82: {  	_ =	shalt  }
0x83: {  	_ =	shalt  }
0x84: {  	_ =	shalt  }
0x85: {  	_ =	shalt  }
0x86: {  	_ =	shalt  }
0x87: {  	_ =	shalt  }
.Lfunc_end0:
.L_simem_size_0:
called_computation.1_lowered:
.L_overlay_start_0:
0x88: {  	s2 =	sld [smem:$0x3FD9]  }
0x89: {  	s3 =	sld [smem:$0x3FFE];
	_ =	sdelay $0x1  }
0x8a: {  	s1 =	srdreg.scid  }
0x8b: {  	s0 =	sand.u32 $0x1, s1  }
0x8c: {  	s17 =	sshll.u32 s0, $0xA;
	s2 =	sadd.s32 s3, s2  }
0x8d: {  	s2 =	sadd.s32 s2, s17  }
0x8e: {  	[smem:$0x3FC4] =	sst s2  }
0x8f: {  	_ = 	snop  }
0x90: {  	s2 =	sld [smem:$0x3FD0];
	(tm) =	ssettm $0x1  }
0x91: {  	s18 =	sld [smem:$0x3FFB];
	_ =	sdelay $0x3  }
0x92: {  	_ =	strace s18  }
0x93: {  	s3 =	sld [smem:$0x3FFC];
	_ =	sdelay $0x3  }
0x94: {  	_ =	strace s3  }
0x95: {  	s3 =	sld [smem:$0x3FFD];
	_ =	sdelay $0x3  }
0x96: {  	_ =	strace s3  }
0x97: {  	_ =	strace $0x8FFFFFFF  }
0x98: {  	s19 =	sld [smem:$0x3FDB];
	_ =	sdelay $0x1  }
0x99: {  	s4 =	simm.s32 $_scs_section_size  }
0x9a: {  	s5 =	simm.s32 $_size__tile_overlayer_lowered;
	s6 =	simm.s32 $_tile_overlayer_lowered  }
0x9b: {  	s22 =	simm.s32 $0x1BFF;
	s21 =	sshll.u32 s6, $0x1;
	s3 =	sadd.s32 s4, s19  }
0x9c: {  	s7 =	simm.s32 $0x0;
	s20 =	sshll.u32 s5, $0x1;
	s5 =	sadd.s32 s21, s3  }
0x9d: {  	[timem:s7], [sflag:s22] =	dma.local [hbm:s5], s20  }
0x9e: {  	_ =	swait.ge [sflag:s22], s20  }
0x9f: {  	s4 =	ssub.s32 $0x0, s20;
	[sflag:s22] =	ssyncset.done $0x0  }
0xa0: {  	[sflag:s22] =	ssyncadd.s32 s4;
	_ =	sdelay $0x1  }
0xa1: {  	s23 =	simm.s32 $0x1B8B  }
0xa2: {  	_ =	swait.ge [sflag:s23], $0x1  }
0xa3: {  	[sflag:s23] =	ssyncset.done $0x0  }
0xa4: {  	s25 =	simm.s32 $0x1B8E;
	s24 =	sld [smem:$0x3FFE];
	[sflag:s23] =	ssyncadd.s32 $0xFFFFFFFF  }
0xa5: {  	s26 =	simm.s32 $execute0_lowered;
	[smem:$0x3FD2] =	sst s25  }
0xa6: {  	s5 =	sshll.u32 s26, $0x1;
	_ =	strace $0x80000049;
	[dreg:$0x1] =	wrdreg $0xFFFFFFFF  }
0xa7: {  	s28 =	simm.s32 $_size_execute0_lowered;
	s3 =	sadd.s32 s3, s5;
	[dreg:$0x0] =	wrdreg $0x0  }
0xa8: {  	s5 =	sshll.u32 s28, $0x1;
	[dreg:$0x2] =	wrdreg s3  }
0xa9: {  	[dreg:$0x3] =	wrdreg s5  }
0xaa: {  	[dreg:$0x4] =	wrdreg $0xC0  }
0xab: {  	_ =	task [dreg:s7], $0x5FFFF  }
0xac: {  	[dreg:$0x1] =	wrdreg $0xFFFFFFFF  }
0xad: {  	[dreg:$0x0] =	wrdreg $0x60  }
0xae: {  	[dreg:$0x2] =	wrdreg s24  }
0xaf: {  	[dreg:$0x3] =	wrdreg s2  }
0xb0: {  	[dreg:$0x4] =	wrdreg $0xB0000  }
0xb1: {  	[dreg:$0x5] =	wrdreg $0x9  }
0xb2: {  	_ =	task.clear_ibuf [dreg:s7], $0x6FFFF;
	_ =	strace $0x90000049  }
0xb3: {  	s29 =	simm.s32 $0x9;
	_ =	strace $0x8000004B  }
0xb4: {  	_ =	swait.ge [sflag:s29], $0x1  }
0xb5: {  	[sflag:s29] =	ssyncadd.s32 $0xFFFFFFFF  }
0xb6: {  	_ =	strace $0x9000004B  }
0xb7: {  	_ =	sfence  }
0xb8: {  	s30 =	sld [smem:$0x0];
	_ =	sdelay $0x2  }
0xb9: {  	s31 =	sshll.u32 s1, $0xD;
	s1 =	sshrl.u32 s1, $0x2  }
0xba: {  	s3 =	sand.u32 $0x4000, s31;
	s1 =	sadd.s32 s1, s30  }
0xbb: {  	s0 =	sor.u32 s3, s0;
	s1 =	sshll.u32 s1, $0x11  }
0xbc: {  	s0 =	sor.u32 s1, s0  }
0xbd: {  	s0 =	sadd.s32 $0x8F2B, s0  }
0xbe: {  	[sflag:s0] =	ssyncadd.remote.s32 $0x1  }
0xbf: {  	_ =	sfence.sel $0xFFFF  }
0xc0: {  	[dreg:$0x0] =	wrdreg $0xFFFFFFFF;
	(pc) =	sbr.abs _section_cstart, $3  }
0xc1: {  	[dreg:$0x1] =	wrdreg $0xFFFFFFFF  }
0xc2: {  	_ =	task.clear_ibuf [dreg:s7], $0x2FFFF;
	_ =	strace $0x9FFFFFFF  }
0xc3: {  	(tm) =	ssettm $0x7FFFFFFF  }
tec
execute0_lowered:
.L_overlay_start_1:
0x0: {  	(tag) =	ssettag $0x1  }
0x1: {  	s6 =	rddreg [dreg:$0x0]  }
0x2: {  	s2 =	rddreg [dreg:$0x1]  }
0x3: {  	s0 =	srdreg.scid;
	s3 =	rddreg [dreg:$0x2];
	s4 =	simm.s32 $0x0  }
0x4: {  	s17 =	simm.s32 $0x3000;
	s18 =	simm.s32 $0x3;
	s19 =	simm.s32 $0x80  }
0x5: {  	s20 =	simm.s32 $0x2C00;
	s21 =	simm.s32 $0x2C80;
	s22 =	simm.s32 $0x7000  }
0x6: {  	s23 =	simm.s32 $0x1;
	s24 =	simm.s32 $0x2;
	s5 =	sand.u32 $0x1, s0  }
0x7: {  	s25 =	simm.s32 $0x0;
	s0 =	stileid.u32;
	s1 =	sshll.u32 s5, $0x4  }
0x8: {  	[smem:$0x7FF] =	sst s4;
	s9 =	smul.u32 $0x50000, s0;
	s7 =	sor.u32 s0, s1  }
0x9: {  	s5 =	ssub.s32 $0x2, s5;
	_ =	strace $0x8000004A;
	s8 =	smul.u32 $0x500, s7  }
0xa: {  	s10 =	sshrl.u32 s5, $0x1;
	s7 =	smul.u32 $0x2800, s7;
	s31 =	sshrl.u32 s9, $0x2  }
0xb: {  	s30 =	ssub.s32 s5, s10;
	s5 =	sadd.s32 s31, s3;
	s8 =	sadd.s32 s8, s6  }
0xc: {  	s16 =	sadd.s32 s7, s6;
	s7 =	smax.u32 s30, $0x1;
	s9 =	sadd.s32 $0x8000, s5  }
0xd: {  	s10 =	sadd.s32 $0xC000, s5;
	s11 =	sadd.s32 $0x10000, s5;
	s6 =	sadd.s32 $0x2800, s8  }
0xe: {  	s8 =	sadd.s32 $0x4000, s5;
	s12 =	sadd.s32 $0xCA00, s16;
	s13 =	sadd.s32 $0xD200, s16  }
0xf: {  	v0 =	vimm.f32 $0.0e+00;
	s14 =	sadd.s32 $0xDA00, s16;
	s15 =	sadd.s32 $0xE200, s16;
	s16 =	sadd.s32 $0xEA00, s16  }
.LBB2_1:
0x10: {  	s26 =	sand.u32 $0xFE00, s4  }
0x11: {  	s28 =	sand.u32 $0x70, s4;
	s29 =	sshrl.u32 s26, $0x2  }
0x12: {  	s26 =	simm.s32 $0x40;
	s29 =	sor.u32 s28, s29;
	s28 =	simm.s32 $0x0  }
.LBB2_2:
0x13: {  	p0 =	sne.s32 s26, $0xFFC0  }
0x14: {  	[tilespmem:s29+$0x3000] =	vst v0;
	s28 =	sadd.s32 $0x10, s28;
	s29 =	smov.u32 s26;
	s26 =	sadd.s32 $0x40, s26  }
.Ltmp0:
0x15: {  	(pc) =	sbr.rel @p0 .LBB2_2-.Ltmp0, $4  }
0x16: {  	_ = 	snop  }
0x17: {  	s29 =	sand.u32 $0xFE00, s29  }
0x18: {  	s30 =	sand.u32 $0x70, s28;
	s29 =	sshrl.u32 s29, $0x2  }
0x19: {  	s29 =	sor.u32 s30, s29  }
0x1a: {  	[tilespmem:s29+$0x3000] =	vst v0  }
0x1b: {  	[spmem:s5] =	stream.linear.scatter [tilespmem:s17], [sflag:$0x3], $0x4000, $0x38;
	[tilespmem:$0x1F000] =	vst v63  }
0x1c: {  	_ =	swait.ge [sflag:s18], $0x4000  }
0x1d: {  	[sflag:s18] =	ssyncset.done $0x0  }
0x1e: {  	[sflag:s18] =	ssyncadd.s32 $0xFFFFC000  }
0x1f: {  	[spmem:s8] =	stream.linear.scatter [tilespmem:s17], [sflag:$0x3], $0x4000, $0x38;
	[tilespmem:$0x1F000] =	vst v63  }
0x20: {  	_ =	swait.ge [sflag:s18], $0x4000  }
0x21: {  	[sflag:s18] =	ssyncset.done $0x0  }
0x22: {  	[sflag:s18] =	ssyncadd.s32 $0xFFFFC000  }
0x23: {  	[spmem:s9] =	stream.linear.scatter [tilespmem:s17], [sflag:$0x3], $0x4000, $0x38;
	[tilespmem:$0x1F000] =	vst v63  }
0x24: {  	_ =	swait.ge [sflag:s18], $0x4000  }
0x25: {  	[sflag:s18] =	ssyncset.done $0x0  }
0x26: {  	[sflag:s18] =	ssyncadd.s32 $0xFFFFC000  }
0x27: {  	[spmem:s10] =	stream.linear.scatter [tilespmem:s17], [sflag:$0x3], $0x4000, $0x38;
	[tilespmem:$0x1F000] =	vst v63  }
0x28: {  	_ =	swait.ge [sflag:s18], $0x4000  }
0x29: {  	[sflag:s18] =	ssyncset.done $0x0  }
0x2a: {  	[sflag:s18] =	ssyncadd.s32 $0xFFFFC000  }
0x2b: {  	[spmem:s11] =	stream.linear.scatter [tilespmem:s17], [sflag:$0x3], $0x4000, $0x38;
	[tilespmem:$0x1F000] =	vst v63  }
0x2c: {  	_ =	swait.ge [sflag:s18], $0x4000  }
0x2d: {  	[sflag:s18] =	ssyncset.done $0x0  }
0x2e: {  	s26 =	simm.s32 $0x0;
	[sflag:s18] =	ssyncadd.s32 $0xFFFFC000  }
0x2f: {  	[tilespmem:s26], [sflag:$0x3] =	stream.linear.gather [hbm4b:s6+s26], $0x2C00, $0x38;
	[tilespmem:$0x1F000] =	vst v63  }
0x30: {  	_ =	swait.ge [sflag:s18], $0x2C00  }
0x31: {  	[sflag:s18] =	ssyncset.done $0x0  }
0x32: {  	[sflag:s18] =	ssyncadd.s32 $0xFFFFD400  }
0x33: {  	[bflag:$0x0] =	sbarrier.arrive $0xFFFF  }
0x34: {  	v1 =	vld [tilespmem:$0x0]  }
0x35: {  	v2 =	vld [tilespmem:$0x10]  }
0x36: {  	v3 =	vld [tilespmem:$0x20]  }
0x37: {  	v4 =	vld [tilespmem:$0x30]  }
0x38: {  	v5 =	vld [tilespmem:$0x40]  }
0x39: {  	v6 =	vld [tilespmem:$0x50];
	v1 =	vshrl.u32 v1, $0xE  }
0x3a: {  	[tilespmem:$0x2C00] =	vst v1;
	v1 =	vshrl.u32 v2, $0xE;
	v2 =	vld [tilespmem:$0x60]  }
0x3b: {  	[tilespmem:$0x2C10] =	vst v1;
	v1 =	vshrl.u32 v3, $0xE;
	v3 =	vld [tilespmem:$0x70]  }
0x3c: {  	v58 =	vld [tilespmem:$0x80];
	[tilespmem:$0x2C20] =	vst v1;
	v1 =	vshrl.u32 v4, $0xE  }
0x3d: {  	v59 =	vld [tilespmem:$0x90];
	[tilespmem:$0x2C30] =	vst v1;
	v1 =	vshrl.u32 v5, $0xE  }
0x3e: {  	v60 =	vld [tilespmem:$0xA0];
	[tilespmem:$0x2C40] =	vst v1;
	v1 =	vshrl.u32 v6, $0xE  }
0x3f: {  	[tilespmem:$0x2C50] =	vst v1;
	v1 =	vshrl.u32 v2, $0xE;
	v2 =	vld [tilespmem:$0xB0]  }
0x40: {  	[tilespmem:$0x2C60] =	vst v1;
	v1 =	vshrl.u32 v3, $0xE;
	v3 =	vld [tilespmem:$0xC0]  }
0x41: {  	v61 =	vld [tilespmem:$0xD0];
	[tilespmem:$0x2C70] =	vst v1;
	v1 =	vshrl.u32 v58, $0xE  }
0x42: {  	v62 =	vld [tilespmem:$0xE0];
	[tilespmem:$0x2C80] =	vst v1;
	v1 =	vshrl.u32 v59, $0xE  }
0x43: {  	v63 =	vld [tilespmem:$0xF0];
	[tilespmem:$0x2C90] =	vst v1;
	v1 =	vshrl.u32 v60, $0xE  }
0x44: {  	[tilespmem:$0x2CA0] =	vst v1;
	v1 =	vshrl.u32 v2, $0xE  }
0x45: {  	[tilespmem:$0x2CB0] =	vst v1;
	v1 =	vshrl.u32 v3, $0xE  }
0x46: {  	[tilespmem:$0x2CC0] =	vst v1;
	v1 =	vshrl.u32 v61, $0xE  }
0x47: {  	[tilespmem:$0x2CD0] =	vst v1;
	v1 =	vshrl.u32 v62, $0xE  }
0x48: {  	[tilespmem:$0x2CE0] =	vst v1;
	v1 =	vshrl.u32 v63, $0xE  }
0x49: {  	[tilespmem:$0x2CF0] =	vst v1  }
0x4a: {  	[tilespmem:s17], [sflag:$0x1] =	stream.indirect.gather [hbm4b:s2+s19], $0x80, s20, s19, $0xb8;
	[tilespmem:$0x1F000] =	vst v63  }
0x4b: {  	_ = 	snop  }
0x4c: {  	[tilespmem:s22], [sflag:$0x2] =	stream.indirect.gather [hbm4b:s2+s19], $0x80, s21, s19, $0xb8;
	[tilespmem:$0x1F000] =	vst v63  }
0x4d: {  	_ =	swait.ge [sflag:s23], $0x4000  }
0x4e: {  	[sflag:s23] =	ssyncset.done $0x0  }
0x4f: {  	s28 =	simm.s32 $0x0;
	[sflag:s23] =	ssyncadd.s32 $0xFFFFC000  }
0x50: {  	v1 =	vld [tilespmem:s28+$0x100];
	_ =	sdelay $0x2  }
0x51: {  	s26 =	simm.s32 $0x400  }
0x52: {  	s1 =	sand.u32 $0x400, s26  }
0x53: {  	s29 =	sshrl.u32 s1, $0x2;
	v1 =	vshrl.u32 v1, $0xE  }
0x54: {  	[tilespmem:s29+$0x2C00] =	vst v1  }
0x55: {  	v1 =	vld [tilespmem:s28+$0x110];
	_ =	sdelay $0x4  }
0x56: {  	v1 =	vshrl.u32 v1, $0xE  }
0x57: {  	[tilespmem:s29+$0x2C10] =	vst v1  }
0x58: {  	v1 =	vld [tilespmem:s28+$0x120];
	_ =	sdelay $0x4  }
0x59: {  	v1 =	vshrl.u32 v1, $0xE  }
0x5a: {  	[tilespmem:s29+$0x2C20] =	vst v1  }
0x5b: {  	v1 =	vld [tilespmem:s28+$0x130];
	_ =	sdelay $0x4  }
0x5c: {  	v1 =	vshrl.u32 v1, $0xE  }
0x5d: {  	[tilespmem:s29+$0x2C30] =	vst v1  }
0x5e: {  	v1 =	vld [tilespmem:s28+$0x140];
	_ =	sdelay $0x4  }
0x5f: {  	v1 =	vshrl.u32 v1, $0xE  }
0x60: {  	[tilespmem:s29+$0x2C40] =	vst v1  }
0x61: {  	v1 =	vld [tilespmem:s28+$0x150];
	_ =	sdelay $0x4  }
0x62: {  	v1 =	vshrl.u32 v1, $0xE  }
0x63: {  	[tilespmem:s29+$0x2C50] =	vst v1  }
0x64: {  	v1 =	vld [tilespmem:s28+$0x160];
	_ =	sdelay $0x4  }
0x65: {  	v1 =	vshrl.u32 v1, $0xE  }
0x66: {  	[tilespmem:s29+$0x2C60] =	vst v1  }
0x67: {  	v1 =	vld [tilespmem:s28+$0x170];
	_ =	sdelay $0x4  }
0x68: {  	v1 =	vshrl.u32 v1, $0xE  }
0x69: {  	[tilespmem:s29+$0x2C70] =	vst v1  }
0x6a: {  	v1 =	vld [tilespmem:s28+$0x0];
	_ =	sdelay $0x3  }
0x6b: {  	s30 =	simm.s32 $0x0  }
0x6c: {  	s30 =	sand.u32 $0x100, s30;
	v1 =	vand.u32 $0x3FFF, v1  }
0x6d: {  	[tilespmem:s30+$0x2E00] =	vst v1  }
0x6e: {  	v1 =	vld [tilespmem:s28+$0x10];
	_ =	sdelay $0x4  }
0x6f: {  	v1 =	vand.u32 $0x3FFF, v1  }
0x70: {  	[tilespmem:s30+$0x2E10] =	vst v1  }
0x71: {  	v1 =	vld [tilespmem:s28+$0x20];
	_ =	sdelay $0x4  }
0x72: {  	v1 =	vand.u32 $0x3FFF, v1  }
0x73: {  	[tilespmem:s30+$0x2E20] =	vst v1  }
0x74: {  	v1 =	vld [tilespmem:s28+$0x30];
	_ =	sdelay $0x4  }
0x75: {  	v1 =	vand.u32 $0x3FFF, v1  }
0x76: {  	[tilespmem:s30+$0x2E30] =	vst v1  }
0x77: {  	v1 =	vld [tilespmem:s28+$0x40];
	_ =	sdelay $0x4  }
0x78: {  	v1 =	vand.u32 $0x3FFF, v1  }
0x79: {  	[tilespmem:s30+$0x2E40] =	vst v1  }
0x7a: {  	v1 =	vld [tilespmem:s28+$0x50];
	_ =	sdelay $0x4  }
0x7b: {  	v1 =	vand.u32 $0x3FFF, v1  }
0x7c: {  	[tilespmem:s30+$0x2E50] =	vst v1  }
0x7d: {  	v1 =	vld [tilespmem:s28+$0x60];
	_ =	sdelay $0x4  }
0x7e: {  	v1 =	vand.u32 $0x3FFF, v1  }
0x7f: {  	[tilespmem:s30+$0x2E60] =	vst v1  }
0x80: {  	v1 =	vld [tilespmem:s28+$0x70];
	_ =	sdelay $0x4  }
0x81: {  	v1 =	vand.u32 $0x3FFF, v1  }
0x82: {  	s31 =	sor.u32 $0x2E00, s30;
	[tilespmem:s30+$0x2E70] =	vst v1  }
0x83: {  	[spmem:s3] =	stream.indirect.scatter.add.f32 [tilespmem:s17], [sflag:$0x3], $0x80, s31, s19, $0xb8;
	[tilespmem:$0x1F000] =	vst v63  }
0x84: {  	_ =	swait.ge [sflag:s18], $0x4000  }
0x85: {  	[sflag:s18] =	ssyncset.done $0x0  }
0x86: {  	s29 =	sor.u32 $0x2C00, s29;
	[sflag:s18] =	ssyncadd.s32 $0xFFFFC000  }
0x87: {  	[tilespmem:s17], [sflag:$0x1] =	stream.indirect.gather [hbm4b:s2+s19], $0x80, s29, s19, $0xb8;
	[tilespmem:$0x1F000] =	vst v63  }
0x88: {  	_ =	swait.ge [sflag:s24], $0x4000  }
0x89: {  	[sflag:s24] =	ssyncset.done $0x0  }
0x8a: {  	[sflag:s24] =	ssyncadd.s32 $0xFFFFC000  }
0x8b: {  	v1 =	vld [tilespmem:s28+$0x180];
	_ =	sdelay $0x2  }
0x8c: {  	s30 =	simm.s32 $0x600  }
0x8d: {  	s29 =	sand.u32 $0x600, s30  }
0x8e: {  	s29 =	sshrl.u32 s29, $0x2;
	v1 =	vshrl.u32 v1, $0xE  }
0x8f: {  	[tilespmem:s29+$0x2C00] =	vst v1  }
0x90: {  	v1 =	vld [tilespmem:s28+$0x190];
	_ =	sdelay $0x4  }
0x91: {  	v1 =	vshrl.u32 v1, $0xE  }
0x92: {  	[tilespmem:s29+$0x2C10] =	vst v1  }
0x93: {  	v1 =	vld [tilespmem:s28+$0x1A0];
	_ =	sdelay $0x4  }
0x94: {  	v1 =	vshrl.u32 v1, $0xE  }
0x95: {  	[tilespmem:s29+$0x2C20] =	vst v1  }
0x96: {  	v1 =	vld [tilespmem:s28+$0x1B0];
	_ =	sdelay $0x4  }
0x97: {  	v1 =	vshrl.u32 v1, $0xE  }
0x98: {  	[tilespmem:s29+$0x2C30] =	vst v1  }
0x99: {  	v1 =	vld [tilespmem:s28+$0x1C0];
	_ =	sdelay $0x4  }
0x9a: {  	v1 =	vshrl.u32 v1, $0xE  }
0x9b: {  	[tilespmem:s29+$0x2C40] =	vst v1  }
0x9c: {  	v1 =	vld [tilespmem:s28+$0x1D0];
	_ =	sdelay $0x4  }
0x9d: {  	v1 =	vshrl.u32 v1, $0xE  }
0x9e: {  	[tilespmem:s29+$0x2C50] =	vst v1  }
0x9f: {  	v1 =	vld [tilespmem:s28+$0x1E0];
	_ =	sdelay $0x4  }
0xa0: {  	v1 =	vshrl.u32 v1, $0xE  }
0xa1: {  	[tilespmem:s29+$0x2C60] =	vst v1  }
0xa2: {  	v1 =	vld [tilespmem:s28+$0x1F0];
	_ =	sdelay $0x4  }
0xa3: {  	v1 =	vshrl.u32 v1, $0xE  }
0xa4: {  	[tilespmem:s29+$0x2C70] =	vst v1  }
0xa5: {  	v1 =	vld [tilespmem:s28+$0x80];
	_ =	sdelay $0x2  }
0xa6: {  	s31 =	simm.s32 $0x200  }
0xa7: {  	s30 =	sand.u32 $0x600, s31  }
0xa8: {  	s30 =	sshrl.u32 s30, $0x2;
	v1 =	vand.u32 $0x3FFF, v1  }
0xa9: {  	[tilespmem:s30+$0x2E00] =	vst v1  }
0xaa: {  	v1 =	vld [tilespmem:s28+$0x90];
	_ =	sdelay $0x4  }
0xab: {  	v1 =	vand.u32 $0x3FFF, v1  }
0xac: {  	[tilespmem:s30+$0x2E10] =	vst v1  }
0xad: {  	v1 =	vld [tilespmem:s28+$0xA0];
	_ =	sdelay $0x4  }
0xae: {  	v1 =	vand.u32 $0x3FFF, v1  }
0xaf: {  	[tilespmem:s30+$0x2E20] =	vst v1  }
0xb0: {  	v1 =	vld [tilespmem:s28+$0xB0];
	_ =	sdelay $0x4  }
0xb1: {  	v1 =	vand.u32 $0x3FFF, v1  }
0xb2: {  	[tilespmem:s30+$0x2E30] =	vst v1  }
0xb3: {  	v1 =	vld [tilespmem:s28+$0xC0];
	_ =	sdelay $0x4  }
0xb4: {  	v1 =	vand.u32 $0x3FFF, v1  }
0xb5: {  	[tilespmem:s30+$0x2E40] =	vst v1  }
0xb6: {  	v1 =	vld [tilespmem:s28+$0xD0];
	_ =	sdelay $0x4  }
0xb7: {  	v1 =	vand.u32 $0x3FFF, v1  }
0xb8: {  	[tilespmem:s30+$0x2E50] =	vst v1  }
0xb9: {  	v1 =	vld [tilespmem:s28+$0xE0];
	_ =	sdelay $0x4  }
0xba: {  	v1 =	vand.u32 $0x3FFF, v1  }
0xbb: {  	[tilespmem:s30+$0x2E60] =	vst v1  }
0xbc: {  	v1 =	vld [tilespmem:s28+$0xF0];
	_ =	sdelay $0x4  }
0xbd: {  	v1 =	vand.u32 $0x3FFF, v1  }
0xbe: {  	s28 =	sor.u32 $0x2E00, s30;
	[tilespmem:s30+$0x2E70] =	vst v1  }
0xbf: {  	[spmem:s3] =	stream.indirect.scatter.add.f32 [tilespmem:s22], [sflag:$0x3], $0x80, s28, s19, $0xb8;
	[tilespmem:$0x1F000] =	vst v63  }
0xc0: {  	_ =	swait.ge [sflag:s18], $0x4000  }
0xc1: {  	[sflag:s18] =	ssyncset.done $0x0  }
0xc2: {  	s28 =	sor.u32 $0x2C00, s29;
	[sflag:s18] =	ssyncadd.s32 $0xFFFFC000  }
.LBB2_4:
0xc3: {  	[tilespmem:s22], [sflag:$0x2] =	stream.indirect.gather [hbm4b:s2+s19], $0x80, s28, s19, $0xb8;
	[tilespmem:$0x1F000] =	vst v63  }
0xc4: {  	s29 =	smov.u32 s26  }
0xc5: {  	p0 =	sne.s32 s26, $0x9C00;
	s26 =	sadd.s32 $0x400, s26;
	_ =	swait.ge [sflag:s23], $0x4000  }
0xc6: {  	s30 =	sand.u32 $0x400, s26;
	[sflag:s23] =	ssyncset.done $0x0  }
0xc7: {  	s28 =	sshra.s32 s29, $0x2;
	[sflag:s23] =	ssyncadd.s32 $0xFFFFC000  }
0xc8: {  	v1 =	vld [tilespmem:s28+$0x100];
	_ =	sdelay $0x4  }
0xc9: {  	s30 =	sshrl.u32 s30, $0x2;
	v1 =	vshrl.u32 v1, $0xE  }
0xca: {  	[tilespmem:s30+$0x2C00] =	vst v1  }
0xcb: {  	v1 =	vld [tilespmem:s28+$0x110];
	_ =	sdelay $0x4  }
0xcc: {  	v1 =	vshrl.u32 v1, $0xE  }
0xcd: {  	[tilespmem:s30+$0x2C10] =	vst v1  }
0xce: {  	v1 =	vld [tilespmem:s28+$0x120];
	_ =	sdelay $0x4  }
0xcf: {  	v1 =	vshrl.u32 v1, $0xE  }
0xd0: {  	[tilespmem:s30+$0x2C20] =	vst v1  }
0xd1: {  	v1 =	vld [tilespmem:s28+$0x130];
	_ =	sdelay $0x4  }
0xd2: {  	v1 =	vshrl.u32 v1, $0xE  }
0xd3: {  	[tilespmem:s30+$0x2C30] =	vst v1  }
0xd4: {  	v1 =	vld [tilespmem:s28+$0x140];
	_ =	sdelay $0x4  }
0xd5: {  	v1 =	vshrl.u32 v1, $0xE  }
0xd6: {  	[tilespmem:s30+$0x2C40] =	vst v1  }
0xd7: {  	v1 =	vld [tilespmem:s28+$0x150];
	_ =	sdelay $0x4  }
0xd8: {  	v1 =	vshrl.u32 v1, $0xE  }
0xd9: {  	[tilespmem:s30+$0x2C50] =	vst v1  }
0xda: {  	v1 =	vld [tilespmem:s28+$0x160];
	_ =	sdelay $0x4  }
0xdb: {  	v1 =	vshrl.u32 v1, $0xE  }
0xdc: {  	[tilespmem:s30+$0x2C60] =	vst v1  }
0xdd: {  	v1 =	vld [tilespmem:s28+$0x170];
	_ =	sdelay $0x4  }
0xde: {  	v1 =	vshrl.u32 v1, $0xE  }
0xdf: {  	[tilespmem:s30+$0x2C70] =	vst v1  }
0xe0: {  	v1 =	vld [tilespmem:s28+$0x0];
	_ =	sdelay $0x3  }
0xe1: {  	s31 =	sshrl.u32 s29, $0x2  }
0xe2: {  	s31 =	sand.u32 $0x100, s31;
	v1 =	vand.u32 $0x3FFF, v1  }
0xe3: {  	[tilespmem:s31+$0x2E00] =	vst v1  }
0xe4: {  	v1 =	vld [tilespmem:s28+$0x10];
	_ =	sdelay $0x4  }
0xe5: {  	v1 =	vand.u32 $0x3FFF, v1  }
0xe6: {  	[tilespmem:s31+$0x2E10] =	vst v1  }
0xe7: {  	v1 =	vld [tilespmem:s28+$0x20];
	_ =	sdelay $0x4  }
0xe8: {  	v1 =	vand.u32 $0x3FFF, v1  }
0xe9: {  	[tilespmem:s31+$0x2E20] =	vst v1  }
0xea: {  	v1 =	vld [tilespmem:s28+$0x30];
	_ =	sdelay $0x4  }
0xeb: {  	v1 =	vand.u32 $0x3FFF, v1  }
0xec: {  	[tilespmem:s31+$0x2E30] =	vst v1  }
0xed: {  	v1 =	vld [tilespmem:s28+$0x40];
	_ =	sdelay $0x4  }
0xee: {  	v1 =	vand.u32 $0x3FFF, v1  }
0xef: {  	[tilespmem:s31+$0x2E40] =	vst v1  }
0xf0: {  	v1 =	vld [tilespmem:s28+$0x50];
	_ =	sdelay $0x4  }
0xf1: {  	v1 =	vand.u32 $0x3FFF, v1  }
0xf2: {  	[tilespmem:s31+$0x2E50] =	vst v1  }
0xf3: {  	v1 =	vld [tilespmem:s28+$0x60];
	_ =	sdelay $0x4  }
0xf4: {  	v1 =	vand.u32 $0x3FFF, v1  }
0xf5: {  	[tilespmem:s31+$0x2E60] =	vst v1  }
0xf6: {  	v1 =	vld [tilespmem:s28+$0x70];
	_ =	sdelay $0x4  }
0xf7: {  	v1 =	vand.u32 $0x3FFF, v1  }
0xf8: {  	s1 =	sor.u32 $0x2E00, s31;
	[tilespmem:s31+$0x2E70] =	vst v1  }
0xf9: {  	[spmem:s3] =	stream.indirect.scatter.add.f32 [tilespmem:s17], [sflag:$0x3], $0x80, s1, s19, $0xb8;
	[tilespmem:$0x1F000] =	vst v63  }
0xfa: {  	_ =	swait.ge [sflag:s18], $0x4000  }
0xfb: {  	[sflag:s18] =	ssyncset.done $0x0  }
0xfc: {  	s1 =	sor.u32 $0x2C00, s30;
	[sflag:s18] =	ssyncadd.s32 $0xFFFFC000  }
0xfd: {  	[tilespmem:s17], [sflag:$0x1] =	stream.indirect.gather [hbm4b:s2+s19], $0x80, s1, s19, $0xb8;
	[tilespmem:$0x1F000] =	vst v63  }
0xfe: {  	_ =	swait.ge [sflag:s24], $0x4000  }
0xff: {  	[sflag:s24] =	ssyncset.done $0x0  }
0x100: {  	[sflag:s24] =	ssyncadd.s32 $0xFFFFC000  }
0x101: {  	v1 =	vld [tilespmem:s28+$0x180];
	_ =	sdelay $0x2  }
0x102: {  	s1 =	sadd.s32 $0x600, s29  }
0x103: {  	s1 =	sand.u32 $0x600, s1  }
0x104: {  	s30 =	sshrl.u32 s1, $0x2;
	v1 =	vshrl.u32 v1, $0xE  }
0x105: {  	[tilespmem:s30+$0x2C00] =	vst v1  }
0x106: {  	v1 =	vld [tilespmem:s28+$0x190];
	_ =	sdelay $0x4  }
0x107: {  	v1 =	vshrl.u32 v1, $0xE  }
0x108: {  	[tilespmem:s30+$0x2C10] =	vst v1  }
0x109: {  	v1 =	vld [tilespmem:s28+$0x1A0];
	_ =	sdelay $0x4  }
0x10a: {  	v1 =	vshrl.u32 v1, $0xE  }
0x10b: {  	[tilespmem:s30+$0x2C20] =	vst v1  }
0x10c: {  	v1 =	vld [tilespmem:s28+$0x1B0];
	_ =	sdelay $0x4  }
0x10d: {  	v1 =	vshrl.u32 v1, $0xE  }
0x10e: {  	[tilespmem:s30+$0x2C30] =	vst v1  }
0x10f: {  	v1 =	vld [tilespmem:s28+$0x1C0];
	_ =	sdelay $0x4  }
0x110: {  	v1 =	vshrl.u32 v1, $0xE  }
0x111: {  	[tilespmem:s30+$0x2C40] =	vst v1  }
0x112: {  	v1 =	vld [tilespmem:s28+$0x1D0];
	_ =	sdelay $0x4  }
0x113: {  	v1 =	vshrl.u32 v1, $0xE  }
0x114: {  	[tilespmem:s30+$0x2C50] =	vst v1  }
0x115: {  	v1 =	vld [tilespmem:s28+$0x1E0];
	_ =	sdelay $0x4  }
0x116: {  	v1 =	vshrl.u32 v1, $0xE  }
0x117: {  	[tilespmem:s30+$0x2C60] =	vst v1  }
0x118: {  	v1 =	vld [tilespmem:s28+$0x1F0];
	_ =	sdelay $0x4  }
0x119: {  	v1 =	vshrl.u32 v1, $0xE  }
0x11a: {  	[tilespmem:s30+$0x2C70] =	vst v1  }
0x11b: {  	v1 =	vld [tilespmem:s28+$0x80];
	_ =	sdelay $0x2  }
0x11c: {  	s1 =	sadd.s32 $0x200, s29  }
0x11d: {  	s1 =	sand.u32 $0x600, s1  }
0x11e: {  	s29 =	sshrl.u32 s1, $0x2;
	v1 =	vand.u32 $0x3FFF, v1  }
0x11f: {  	[tilespmem:s29+$0x2E00] =	vst v1  }
0x120: {  	v1 =	vld [tilespmem:s28+$0x90];
	_ =	sdelay $0x4  }
0x121: {  	v1 =	vand.u32 $0x3FFF, v1  }
0x122: {  	[tilespmem:s29+$0x2E10] =	vst v1  }
0x123: {  	v1 =	vld [tilespmem:s28+$0xA0];
	_ =	sdelay $0x4  }
0x124: {  	v1 =	vand.u32 $0x3FFF, v1  }
0x125: {  	[tilespmem:s29+$0x2E20] =	vst v1  }
0x126: {  	v1 =	vld [tilespmem:s28+$0xB0];
	_ =	sdelay $0x4  }
0x127: {  	v1 =	vand.u32 $0x3FFF, v1  }
0x128: {  	[tilespmem:s29+$0x2E30] =	vst v1  }
0x129: {  	v1 =	vld [tilespmem:s28+$0xC0];
	_ =	sdelay $0x4  }
0x12a: {  	v1 =	vand.u32 $0x3FFF, v1  }
0x12b: {  	[tilespmem:s29+$0x2E40] =	vst v1  }
0x12c: {  	v1 =	vld [tilespmem:s28+$0xD0];
	_ =	sdelay $0x4  }
0x12d: {  	v1 =	vand.u32 $0x3FFF, v1  }
0x12e: {  	[tilespmem:s29+$0x2E50] =	vst v1  }
0x12f: {  	v1 =	vld [tilespmem:s28+$0xE0];
	_ =	sdelay $0x4  }
0x130: {  	v1 =	vand.u32 $0x3FFF, v1  }
0x131: {  	[tilespmem:s29+$0x2E60] =	vst v1  }
0x132: {  	v1 =	vld [tilespmem:s28+$0xF0];
	_ =	sdelay $0x4  }
0x133: {  	v1 =	vand.u32 $0x3FFF, v1  }
.Ltmp1:
0x134: {  	s1 =	sor.u32 $0x2E00, s29;
	[tilespmem:s29+$0x2E70] =	vst v1;
	(pc) =	sbr.rel @p0 .LBB2_4-.Ltmp1, $4  }
0x135: {  	[spmem:s3] =	stream.indirect.scatter.add.f32 [tilespmem:s22], [sflag:$0x3], $0x80, s1, s19, $0xb8;
	[tilespmem:$0x1F000] =	vst v63  }
0x136: {  	_ =	swait.ge [sflag:s18], $0x4000  }
0x137: {  	[sflag:s18] =	ssyncset.done $0x0  }
0x138: {  	s28 =	sor.u32 $0x2C00, s30;
	[sflag:s18] =	ssyncadd.s32 $0xFFFFC000  }
0x139: {  	[tilespmem:s22], [sflag:$0x2] =	stream.indirect.gather [hbm4b:s2+s19], $0x80, s28, s19, $0xb8;
	[tilespmem:$0x1F000] =	vst v63  }
0x13a: {  	_ =	swait.ge [sflag:s23], $0x4000  }
0x13b: {  	[sflag:s23] =	ssyncset.done $0x0  }
0x13c: {  	[sflag:s23] =	ssyncadd.s32 $0xFFFFC000  }
0x13d: {  	_ =	swait.ge [sflag:s24], $0x4000  }
0x13e: {  	[sflag:s24] =	ssyncset.done $0x0  }
0x13f: {  	[sflag:s24] =	ssyncadd.s32 $0xFFFFC000  }
0x140: {  	[bflag:$0x0] =	sbarrier.arrive $0xFFFF  }
0x141: {  	[tilespmem:s17], [sflag:$0x3] =	stream.linear.gather [spmem:s5], $0x4000, $0x38;
	[tilespmem:$0x1F000] =	vst v63  }
0x142: {  	_ =	swait.ge [sflag:s18], $0x4000  }
0x143: {  	[sflag:s18] =	ssyncset.done $0x0  }
0x144: {  	[sflag:s18] =	ssyncadd.s32 $0xFFFFC000  }
0x145: {  	[hbm4b:s12+s4] =	stream.linear.scatter [tilespmem:s17], [sflag:$0x3], $0x4000, $0x38;
	[tilespmem:$0x1F000] =	vst v63  }
0x146: {  	_ =	swait.ge [sflag:s18], $0x4000  }
0x147: {  	[sflag:s18] =	ssyncset.done $0x0  }
0x148: {  	[sflag:s18] =	ssyncadd.s32 $0xFFFFC000  }
0x149: {  	[tilespmem:s17], [sflag:$0x3] =	stream.linear.gather [spmem:s8], $0x4000, $0x38;
	[tilespmem:$0x1F000] =	vst v63  }
0x14a: {  	_ =	swait.ge [sflag:s18], $0x4000  }
0x14b: {  	[sflag:s18] =	ssyncset.done $0x0  }
0x14c: {  	[sflag:s18] =	ssyncadd.s32 $0xFFFFC000  }
0x14d: {  	[hbm4b:s13+s4] =	stream.linear.scatter [tilespmem:s17], [sflag:$0x3], $0x4000, $0x38;
	[tilespmem:$0x1F000] =	vst v63  }
0x14e: {  	_ =	swait.ge [sflag:s18], $0x4000  }
0x14f: {  	[sflag:s18] =	ssyncset.done $0x0  }
0x150: {  	[sflag:s18] =	ssyncadd.s32 $0xFFFFC000  }
0x151: {  	[tilespmem:s17], [sflag:$0x3] =	stream.linear.gather [spmem:s9], $0x4000, $0x38;
	[tilespmem:$0x1F000] =	vst v63  }
0x152: {  	_ =	swait.ge [sflag:s18], $0x4000  }
0x153: {  	[sflag:s18] =	ssyncset.done $0x0  }
0x154: {  	[sflag:s18] =	ssyncadd.s32 $0xFFFFC000  }
0x155: {  	[hbm4b:s14+s4] =	stream.linear.scatter [tilespmem:s17], [sflag:$0x3], $0x4000, $0x38;
	[tilespmem:$0x1F000] =	vst v63  }
0x156: {  	_ =	swait.ge [sflag:s18], $0x4000  }
0x157: {  	[sflag:s18] =	ssyncset.done $0x0  }
0x158: {  	[sflag:s18] =	ssyncadd.s32 $0xFFFFC000  }
0x159: {  	[tilespmem:s17], [sflag:$0x3] =	stream.linear.gather [spmem:s10], $0x4000, $0x38;
	[tilespmem:$0x1F000] =	vst v63  }
0x15a: {  	_ =	swait.ge [sflag:s18], $0x4000  }
0x15b: {  	[sflag:s18] =	ssyncset.done $0x0  }
0x15c: {  	[sflag:s18] =	ssyncadd.s32 $0xFFFFC000  }
0x15d: {  	[hbm4b:s15+s4] =	stream.linear.scatter [tilespmem:s17], [sflag:$0x3], $0x4000, $0x38;
	[tilespmem:$0x1F000] =	vst v63  }
0x15e: {  	_ =	swait.ge [sflag:s18], $0x4000  }
0x15f: {  	[sflag:s18] =	ssyncset.done $0x0  }
0x160: {  	[sflag:s18] =	ssyncadd.s32 $0xFFFFC000  }
0x161: {  	[tilespmem:s17], [sflag:$0x3] =	stream.linear.gather [spmem:s11], $0x4000, $0x38;
	[tilespmem:$0x1F000] =	vst v63  }
0x162: {  	s25 =	sadd.s32 $0x1, s25;
	_ =	swait.ge [sflag:s18], $0x4000  }
0x163: {  	p0 =	sne.s32 s25, s7;
	[sflag:s18] =	ssyncset.done $0x0  }
.Ltmp2:
0x164: {  	[sflag:s18] =	ssyncadd.s32 $0xFFFFC000;
	(pc) =	sbr.rel @p0 .LBB2_1-.Ltmp2, $4  }
0x165: {  	[hbm4b:s16+s4] =	stream.linear.scatter [tilespmem:s17], [sflag:$0x3], $0x4000, $0x38;
	[tilespmem:$0x1F000] =	vst v63  }
0x166: {  	_ =	swait.ge [sflag:s18], $0x4000  }
0x167: {  	[sflag:s18] =	ssyncset.done $0x0  }
0x168: {  	[sflag:s18] =	ssyncadd.s32 $0xFFFFC000  }
0x169: {  	_ =	sfence.sel $0x180000  }
0x16a: {  	[bflag:$0x0] =	sbarrier.arrive $0xFFFF  }
0x16b: {  	_ =	strace $0x9000004A  }
0x16c: {  	[bflag:$0x2] =	sbarrier.arrive $0xFFFF  }
0x16d: {  	p0 =	sne.s32 s0, $0x0;
	s0 =	rddreg [dreg:$0x3]  }
0x16e: {  	s0 =	sadd.s32 @!p0 $0x100000, s0  }
0x16f: {  	[sflag:s0] =	ssyncadd.tile.s32 @!p0 $0x1;
	_ =	shalt  }
.Lfunc_end2:
_tile_overlayer_lowered:
.L_overlay_start_2:
0x170: {  	(tag) =	ssettag $0x2  }
0x171: {  	s0 =	rddreg [dreg:$0x0];
	s2 =	stileid.u32  }
0x172: {  	s1 =	rddreg [dreg:$0x1];
	p0 =	sne.s32 s2, $0x0  }
0x173: {  	s3 =	rddreg [dreg:$0x2];
	[bflag:$0x3] =	sbarrier.arrive $0xFFFF;
	s2 =	simm.s32 @!p0 $0x1C03  }
0x174: {  	[timem:s3], [sflag:s2] =	dma.local @!p0 [hbm:s0], s1  }
0x175: {  	s0 =	simm.s32 @!p0 $0x3  }
0x176: {  	_ =	swait.ge @!p0 [sflag:s0], s1  }
0x177: {  	s1 =	ssub.s32 @!p0 $0x0, s1;
	[sflag:s0] =	ssyncset.done @!p0 $0x0  }
0x178: {  	[sflag:s0] =	ssyncadd.s32 @!p0 s1  }
0x179: {  	[bflag:$0x3] =	sbarrier.arrive $0xFFFF  }
0x17a: {  	_ =	shalt  }

</sc_bundles>
